<compile_context>
chip_gen: v7x
topology: tpu7x:2x2x1
jax: 0.10.2.dev20260603
libtpu: 0.0.44.dev20260713+nightly
codegen_flags: <defaults>
</compile_context>

<pallas_src>
import functools

import jax
import jax.numpy as jnp
from jax import lax
from jax.experimental import pallas as pl
from jax.experimental.pallas import tpu as pltpu
from jax.experimental.pallas import tpu_sc as plsc

PAD = 1
L = 16
NC = 2
NS = 16
NW = NC * NS
R = 16
D = 6
AHEAD = 3


def _make_sc_kernel(bsz, seq, dim):
    tpw = (bsz * seq) // NW
    wpr = NW // bsz
    rows_per_core = bsz // NC
    nch = tpw // R

    def body(inp_hbm, table_hbm, out_hbm, inp_v, pos_v, cnt_v, all_cnt_v,
             shared, bufs, gsems, osems):
        c = lax.axis_index("c")
        s = lax.axis_index("s")
        row = c * rows_per_core + s // wpr
        chunk = s % wpr
        base = row * seq + chunk * tpw

        pltpu.sync_copy(inp_hbm.at[pl.ds(base, tpw)], inp_v)

        def sum_body(i, acc):
            x = inp_v[pl.ds(i * L, L)]
            return acc + jnp.where(x != PAD, 1, 0).astype(jnp.int32)

        acc = lax.fori_loop(0, tpw // L, sum_body, jnp.zeros((L,), jnp.int32))
        total = jnp.sum(acc)

        cnt_v[...] = jnp.broadcast_to(total, (L,))
        pltpu.sync_copy(cnt_v, shared.at[s])
        plsc.subcore_barrier()
        pltpu.sync_copy(shared, all_cnt_v)
        lanes = lax.iota(jnp.int32, L)
        counts = plsc.load_gather(all_cnt_v, [lanes, jnp.zeros((L,), jnp.int32)])
        peer = jnp.logical_and(lanes // wpr == s // wpr, lanes < s)
        offset = jnp.sum(jnp.where(peer, counts, 0))

        def cum_body(i, carry):
            x = inp_v[pl.ds(i * L, L)]
            m = jnp.where(x != PAD, 1, 0).astype(jnp.int32)
            cs = plsc.cumsum(m) + carry
            pos_v[pl.ds(i * L, L)] = cs * m + PAD
            return carry + jnp.sum(m)

        lax.fori_loop(0, tpw // L, cum_body, offset)

        rot = row * (nch // bsz)

        def fire_gather(ch, j):
            ce = (ch + rot) % nch
            pltpu.async_copy(
                table_hbm.at[pos_v.at[pl.ds(ce * R, R)]], bufs.at[j], gsems.at[j])

        def wait_gather(j):
            pltpu.make_async_copy(
                table_hbm.at[pos_v.at[pl.ds(0, R)]], bufs.at[j],
                gsems.at[j]).wait()

        def fire_out(ch, j):
            ce = (ch + rot) % nch
            pltpu.async_copy(
                bufs.at[j], out_hbm.at[pl.ds(base + ce * R, R), :], osems.at[j])

        def wait_out(ch, j):
            ce = (ch + rot) % nch
            pltpu.make_async_copy(
                bufs.at[j], out_hbm.at[pl.ds(base + ce * R, R), :],
                osems.at[j]).wait()

        for ch in range(AHEAD):
            fire_gather(ch, ch % D)

        def ring_body(i, _):
            for j in range(D):
                ch = i * D + j

                @pl.when(ch + AHEAD < nch)
                def _():
                    jn = (ch + AHEAD) % D

                    @pl.when(ch + AHEAD >= D)
                    def _():
                        wait_out(ch + AHEAD - D, jn)

                    fire_gather(ch + AHEAD, jn)

                @pl.when(ch < nch)
                def _():
                    wait_gather(j)
                    fire_out(ch, j)

            return 0

        lax.fori_loop(0, (nch + D - 1) // D, ring_body, 0)

        for t in range(D):
            ch = nch - D + t
            if ch >= 0:
                wait_out(ch, ch % D)

    return pl.kernel(
        body,
        out_type=jax.ShapeDtypeStruct((bsz * seq, dim), jnp.float32),
        mesh=plsc.VectorSubcoreMesh(core_axis_name="c", subcore_axis_name="s"),
        compiler_params=pltpu.CompilerParams(needs_layout_passes=False),
        scratch_types=[
            pltpu.VMEM((tpw,), jnp.int32),
            pltpu.VMEM((tpw,), jnp.int32),
            pltpu.VMEM((L,), jnp.int32),
            pltpu.VMEM((NS, L), jnp.int32),
            pltpu.VMEM_SHARED((NS, L), jnp.int32),
            pltpu.VMEM((D, R, dim), jnp.float32),
            pltpu.SemaphoreType.DMA((D,)),
            pltpu.SemaphoreType.DMA((D,)),
        ],
    )


@functools.partial(jax.jit, static_argnames=())
def kernel(input, weights):
    bsz, seq = input.shape
    dim = weights.shape[1]
    inp = input.reshape(-1).astype(jnp.int32)
    out = _make_sc_kernel(bsz, seq, dim)(inp, weights)
    return out.reshape(bsz, seq, dim)

# --- scband reference (transcript-rebuilt; emitter-appended) ---
"""Pipeline reference for scband-sinusoidal-positional-embedding-35287451304000 (READ-ONLY COPY).

The authoritative reference and input builder live on the scoring server;
editing this copy changes nothing except your own understanding.
"""

import math
import jax, jax.numpy as jnp
import numpy as np

EMBEDDING_DIM = 1024
PADDING_IDX = 1
INIT_SIZE = 16384
BATCH = 4
SEQ_LEN = 8192
VOCAB = 50000


def get_embedding(num_embeddings, embedding_dim, padding_idx):
    half_dim = embedding_dim // 2
    emb = math.log(10000) / (half_dim - 1)
    emb = np.exp(np.arange(half_dim, dtype=np.float64) * -emb)
    emb = np.arange(num_embeddings, dtype=np.float64)[:, None] * emb[None, :]
    emb = np.concatenate([np.sin(emb), np.cos(emb)], axis=1).reshape(num_embeddings, -1)
    if embedding_dim % 2 == 1:
        emb = np.concatenate([emb, np.zeros((num_embeddings, 1))], axis=1)
    if padding_idx is not None:
        emb[padding_idx, :] = 0.0
    return jnp.asarray(emb, dtype=jnp.float32)


def setup_inputs(seed: int = 0) -> dict:
    key = jax.random.key(seed)
    k_inp = jax.random.fold_in(key, 0)
    inp = jax.random.randint(k_inp, (BATCH, SEQ_LEN), 0, VOCAB, dtype=jnp.int64)
    weights = get_embedding(INIT_SIZE, EMBEDDING_DIM, PADDING_IDX)
    return {"input": inp, "weights": weights}


def make_positions(inp, padding_idx):
    mask = (inp != padding_idx).astype(jnp.int32)
    positions = jnp.cumsum(mask, axis=1) * mask + padding_idx
    return positions


def reference(input, weights):
    bsz, seq_len = input.shape
    positions = make_positions(input, PADDING_IDX)
    flat = jnp.take(weights, positions.reshape(-1), axis=0)
    return flat.reshape(bsz, seq_len, -1)

if __name__ == "__main__":
    import jax
    _d = setup_inputs()
    print(jax.jit(kernel)(*tuple(_d.values())))

</pallas_src>

<mosaic_0001>
#map = affine_map<(d0, d1) -> (0)>
#map1 = affine_map<(d0, d1) -> (0, 0)>
module attributes {stable_mosaic.version = 14 : i64} {
  func.func @body(%arg0: i32, %arg1: i32, %arg2: memref<32768xi32, #tpu.memory_space<hbm>>, %arg3: memref<16384x1024xf32, #tpu.memory_space<hbm>>, %arg4: memref<32768x1024xf32, #tpu.memory_space<hbm>>, %arg5: memref<1024xi32, #tpu.memory_space<vmem>>, %arg6: memref<1024xi32, #tpu.memory_space<vmem>>, %arg7: memref<16xi32, #tpu.memory_space<vmem>>, %arg8: memref<16x16xi32, #tpu.memory_space<vmem>>, %arg9: memref<16x16xi32, #tpu.memory_space<vmem_shared>>, %arg10: memref<6x16x1024xf32, #tpu.memory_space<vmem>>, %arg11: memref<6x!tpu.dma_semaphore, #tpu.memory_space<semaphore_mem>>, %arg12: memref<6x!tpu.dma_semaphore, #tpu.memory_space<semaphore_mem>>) attributes {dimension_semantics = [#tpu.dimension_semantics<core_parallel>, #tpu.dimension_semantics<subcore_parallel>], iteration_bounds = array<i64: 2, 16>, scalar_prefetch = 0 : i64, scratch_operands = 8 : i64, tpu.core_type = #tpu.core_type<sc_vector_subcore>, window_params = [{transform_indices = #map}, {transform_indices = #map1}, {transform_indices = #map1}]} {
    %mul3A = arith.constant 2 : i32
    %mul3A_0 = arith.muli %arg0, %mul3A : i32
    %jit3A = arith.constant 8 : i32
    %div3A = arith.divsi %arg1, %jit3A : i32
    %sign3A = arith.constant 0 : i32
    %sign3A_1 = arith.cmpi sgt, %arg1, %sign3A : i32
    %sign3A_2 = arith.extui %sign3A_1 : i1 to i32
    %sign3A_3 = arith.constant 0 : i32
    %sign3A_4 = arith.cmpi slt, %arg1, %sign3A_3 : i32
    %sign3A_5 = arith.extui %sign3A_4 : i1 to i32
    %sign3A_6 = arith.subi %sign3A_2, %sign3A_5 : i32
    %sign3A_7 = arith.constant 0 : i32
    %sign3A_8 = arith.cmpi sgt, %jit3A, %sign3A_7 : i32
    %sign3A_9 = arith.extui %sign3A_8 : i1 to i32
    %sign3A_10 = arith.constant 0 : i32
    %sign3A_11 = arith.cmpi slt, %jit3A, %sign3A_10 : i32
    %sign3A_12 = arith.extui %sign3A_11 : i1 to i32
    %sign3A_13 = arith.subi %sign3A_9, %sign3A_12 : i32
    %ne3A = arith.cmpi ne, %sign3A_6, %sign3A_13 : i32
    %rem3A = arith.remsi %arg1, %jit3A : i32
    %ne3A_14 = arith.constant 0 : i32
    %ne3A_15 = arith.cmpi ne, %rem3A, %ne3A_14 : i32
    %and3A = arith.andi %ne3A, %ne3A_15 : i1
    %sub3A = arith.constant 1 : i32
    %sub3A_16 = arith.subi %div3A, %sub3A : i32
    %select_n3A = arith.select %and3A, %sub3A_16, %div3A : i32
    %add3A = arith.addi %mul3A_0, %select_n3A : i32
    %jit3A_17 = arith.constant 8 : i32
    %eq3A = arith.constant 0 : i32
    %eq3A_18 = arith.cmpi eq, %jit3A_17, %eq3A : i32
    %jit3A_19 = arith.constant 1 : i32
    %select_n3A_20 = arith.select %eq3A_18, %jit3A_19, %jit3A_17 : i32
    %rem3A_21 = arith.remsi %arg1, %select_n3A_20 : i32
    %ne3A_22 = arith.constant 0 : i32
    %ne3A_23 = arith.cmpi ne, %rem3A_21, %ne3A_22 : i32
    %lt3A = arith.constant 0 : i32
    %lt3A_24 = arith.cmpi slt, %rem3A_21, %lt3A : i32
    %lt3A_25 = arith.constant 0 : i32
    %lt3A_26 = arith.cmpi slt, %select_n3A_20, %lt3A_25 : i32
    %ne3A_27 = arith.xori %lt3A_24, %lt3A_26 : i1
    %and3A_28 = arith.andi %ne3A_27, %ne3A_23 : i1
    %add3A_29 = arith.addi %rem3A_21, %select_n3A_20 : i32
    %select_n3A_30 = arith.select %and3A_28, %add3A_29, %rem3A_21 : i32
    %mul3A_31 = arith.constant 8192 : i32
    %mul3A_32 = arith.muli %add3A, %mul3A_31 : i32
    %mul3A_33 = arith.constant 1024 : i32
    %mul3A_34 = arith.muli %select_n3A_30, %mul3A_33 : i32
    %add3A_35 = arith.addi %mul3A_32, %mul3A_34 : i32
    "tpu.region"() ({
      %run_scoped3A = tpu.sem_alloc : memref<!tpu.dma_semaphore, #tpu.memory_space<semaphore_mem>>
      %dma_start3A_447 = tpu.memref_slice %arg2[%add3A_35] : memref<32768xi32, #tpu.memory_space<hbm>> -> memref<1024xi32, #tpu.memory_space<hbm>>
      %dma_start3A_448 = tpu.memref_slice %arg2[%add3A_35] : memref<32768xi32, #tpu.memory_space<hbm>> -> memref<1024xi32, #tpu.memory_space<hbm>>
      tpu.enqueue_dma source(%dma_start3A_448 : memref<1024xi32, #tpu.memory_space<hbm>>) target(%arg5 : memref<1024xi32, #tpu.memory_space<vmem>>) target_semaphore(%run_scoped3A : memref<!tpu.dma_semaphore, #tpu.memory_space<semaphore_mem>>)
      %dma_wait3A_449 = tpu.memref_slice %arg2[%add3A_35] : memref<32768xi32, #tpu.memory_space<hbm>> -> memref<1024xi32, #tpu.memory_space<hbm>>
      %dma_wait3A_450 = tpu.memref_slice %arg2[%add3A_35] : memref<32768xi32, #tpu.memory_space<hbm>> -> memref<1024xi32, #tpu.memory_space<hbm>>
      tpu.wait_dma2 semaphore(%run_scoped3A : memref<!tpu.dma_semaphore, #tpu.memory_space<semaphore_mem>>) src(%dma_wait3A_450 : memref<1024xi32, #tpu.memory_space<hbm>>) dst(%arg5 : memref<1024xi32, #tpu.memory_space<vmem>>)
      tpu.yield
    }) : () -> ()
    %broadcast_in_dim3A = arith.constant 0 : i32
    %broadcast_in_dim3A_36 = vector.broadcast %broadcast_in_dim3A : i32 to vector<16xi32>
    %scan3A = arith.constant 0 : i32
    %scan3A_37 = arith.constant 64 : i32
    %scan3A_38 = arith.addi %scan3A, %scan3A_37 : i32
    %scan3A_39 = arith.constant 1 : i32
    %scan3A_40 = scf.for %scan3A_447 = %scan3A to %scan3A_38 step %scan3A_39 iter_args(%scan3A_448 = %broadcast_in_dim3A_36) -> (vector<16xi32>)  : i32 {
      %mul3A_449 = arith.constant 16 : i32
      %mul3A_450 = arith.muli %scan3A_447, %mul3A_449 : i32
      %get3A = arith.index_cast %mul3A_450 : i32 to index
      %get3A_451 = tpu.vector_load %arg5[%get3A] {strides = array<i32>} : memref<1024xi32, #tpu.memory_space<vmem>>, vector<16xi32>,
      %ne3A_452 = arith.constant 1 : i32
      %ne3A_453 = vector.broadcast %ne3A_452 : i32 to vector<16xi32>
      %ne3A_454 = arith.cmpi ne, %get3A_451, %ne3A_453 : vector<16xi32>
      %jit3A_455 = arith.constant 1 : i32
      %jit3A_456 = arith.constant 0 : i32
      %broadcast_in_dim3A_457 = vector.broadcast %jit3A_455 : i32 to vector<16xi32>
      %broadcast_in_dim3A_458 = vector.broadcast %jit3A_456 : i32 to vector<16xi32>
      %select_n3A_459 = arith.select %ne3A_454, %broadcast_in_dim3A_457, %broadcast_in_dim3A_458 : vector<16xi1>, vector<16xi32>
      %add3A_460 = arith.addi %scan3A_448, %select_n3A_459 : vector<16xi32>
      scf.yield %add3A_460 : vector<16xi32>
    }
    %scan3A_41 = arith.constant 64 : i32
    %reduce_sum3A = arith.constant true
    %reduce_sum3A_42 = vector.broadcast %reduce_sum3A : i1 to vector<16xi1>
    %reduce_sum3A_43 = tpu.scan <sum>, %scan3A_40 masked %reduce_sum3A_42 : vector<16xi32>, vector<16xi1> -> vector<16xi32>
    %reduce_sum3A_44 = vector.extract %reduce_sum3A_43[15] : i32 from vector<16xi32>
    %broadcast_in_dim3A_45 = vector.broadcast %reduce_sum3A_44 : i32 to vector<16xi32>
    %swap3A = arith.constant 0 : index
    %swap3A_46 = tpu.vector_load %arg7[%swap3A] {strides = array<i32>} : memref<16xi32, #tpu.memory_space<vmem>>, vector<16xi32>,
    tpu.vector_store %arg7[%swap3A], %broadcast_in_dim3A_45 {strides = array<i32>} : memref<16xi32, #tpu.memory_space<vmem>>, vector<16xi32>,
    "tpu.region"() ({
      %run_scoped3A = tpu.sem_alloc : memref<!tpu.dma_semaphore, #tpu.memory_space<semaphore_mem>>
      %dma_start3A_447 = arith.constant 0 : i32
      %dma_start3A_448 = tpu.memref_slice %arg9[%arg1, %dma_start3A_447] : memref<16x16xi32, #tpu.memory_space<vmem_shared>> -> memref<1x16xi32, #tpu.memory_space<vmem_shared>>
      %dma_start3A_449 = tpu.memref_squeeze %dma_start3A_448 : memref<1x16xi32, #tpu.memory_space<vmem_shared>> -> memref<16xi32, #tpu.memory_space<vmem_shared>>
      %dma_start3A_450 = arith.constant 0 : i32
      %dma_start3A_451 = tpu.memref_slice %arg9[%arg1, %dma_start3A_450] : memref<16x16xi32, #tpu.memory_space<vmem_shared>> -> memref<1x16xi32, #tpu.memory_space<vmem_shared>>
      %dma_start3A_452 = tpu.memref_squeeze %dma_start3A_451 : memref<1x16xi32, #tpu.memory_space<vmem_shared>> -> memref<16xi32, #tpu.memory_space<vmem_shared>>
      tpu.enqueue_dma source(%arg7 : memref<16xi32, #tpu.memory_space<vmem>>) target(%dma_start3A_452 : memref<16xi32, #tpu.memory_space<vmem_shared>>) target_semaphore(%run_scoped3A : memref<!tpu.dma_semaphore, #tpu.memory_space<semaphore_mem>>)
      %dma_wait3A_453 = arith.constant 0 : i32
      %dma_wait3A_454 = tpu.memref_slice %arg9[%arg1, %dma_wait3A_453] : memref<16x16xi32, #tpu.memory_space<vmem_shared>> -> memref<1x16xi32, #tpu.memory_space<vmem_shared>>
      %dma_wait3A_455 = tpu.memref_squeeze %dma_wait3A_454 : memref<1x16xi32, #tpu.memory_space<vmem_shared>> -> memref<16xi32, #tpu.memory_space<vmem_shared>>
      %dma_wait3A_456 = arith.constant 0 : i32
      %dma_wait3A_457 = tpu.memref_slice %arg9[%arg1, %dma_wait3A_456] : memref<16x16xi32, #tpu.memory_space<vmem_shared>> -> memref<1x16xi32, #tpu.memory_space<vmem_shared>>
      %dma_wait3A_458 = tpu.memref_squeeze %dma_wait3A_457 : memref<1x16xi32, #tpu.memory_space<vmem_shared>> -> memref<16xi32, #tpu.memory_space<vmem_shared>>
      tpu.wait_dma2 semaphore(%run_scoped3A : memref<!tpu.dma_semaphore, #tpu.memory_space<semaphore_mem>>) src(%arg7 : memref<16xi32, #tpu.memory_space<vmem>>) dst(%dma_wait3A_458 : memref<16xi32, #tpu.memory_space<vmem_shared>>)
      tpu.yield
    }) : () -> ()
    %barrier3A = arith.constant 0 : index
    tpu.barrier barrier_id(%barrier3A)
    "tpu.region"() ({
      %run_scoped3A = tpu.sem_alloc : memref<!tpu.dma_semaphore, #tpu.memory_space<semaphore_mem>>
      tpu.enqueue_dma source(%arg9 : memref<16x16xi32, #tpu.memory_space<vmem_shared>>) target(%arg8 : memref<16x16xi32, #tpu.memory_space<vmem>>) target_semaphore(%run_scoped3A : memref<!tpu.dma_semaphore, #tpu.memory_space<semaphore_mem>>)
      tpu.wait_dma2 semaphore(%run_scoped3A : memref<!tpu.dma_semaphore, #tpu.memory_space<semaphore_mem>>) src(%arg9 : memref<16x16xi32, #tpu.memory_space<vmem_shared>>) dst(%arg8 : memref<16x16xi32, #tpu.memory_space<vmem>>)
      tpu.yield
    }) : () -> ()
    %iota3A = tpu.iota {dimensions = array<i32: 0>} : vector<16xi32>
    %broadcast_in_dim3A_47 = arith.constant 0 : i32
    %broadcast_in_dim3A_48 = vector.broadcast %broadcast_in_dim3A_47 : i32 to vector<16xi32>
    %gather3A = tpu.vector_load_idx %arg8[%iota3A, %broadcast_in_dim3A_48] : memref<16x16xi32, #tpu.memory_space<vmem>>[vector<16xi32>, vector<16xi32>], vector<16xi32>,
    %jit3A_49 = arith.constant 8 : i32
    %div3A_50 = vector.broadcast %jit3A_49 : i32 to vector<16xi32>
    %div3A_51 = arith.divsi %iota3A, %div3A_50 : vector<16xi32>
    %sign3A_52 = arith.constant 0 : i32
    %sign3A_53 = vector.broadcast %sign3A_52 : i32 to vector<16xi32>
    %sign3A_54 = arith.cmpi sgt, %iota3A, %sign3A_53 : vector<16xi32>
    %sign3A_55 = arith.extui %sign3A_54 : vector<16xi1> to vector<16xi32>
    %sign3A_56 = arith.constant 0 : i32
    %sign3A_57 = vector.broadcast %sign3A_56 : i32 to vector<16xi32>
    %sign3A_58 = arith.cmpi slt, %iota3A, %sign3A_57 : vector<16xi32>
    %sign3A_59 = arith.extui %sign3A_58 : vector<16xi1> to vector<16xi32>
    %sign3A_60 = arith.subi %sign3A_55, %sign3A_59 : vector<16xi32>
    %sign3A_61 = arith.constant 0 : i32
    %sign3A_62 = arith.cmpi sgt, %jit3A_49, %sign3A_61 : i32
    %sign3A_63 = arith.extui %sign3A_62 : i1 to i32
    %sign3A_64 = arith.constant 0 : i32
    %sign3A_65 = arith.cmpi slt, %jit3A_49, %sign3A_64 : i32
    %sign3A_66 = arith.extui %sign3A_65 : i1 to i32
    %sign3A_67 = arith.subi %sign3A_63, %sign3A_66 : i32
    %ne3A_68 = vector.broadcast %sign3A_67 : i32 to vector<16xi32>
    %ne3A_69 = arith.cmpi ne, %sign3A_60, %ne3A_68 : vector<16xi32>
    %rem3A_70 = vector.broadcast %jit3A_49 : i32 to vector<16xi32>
    %rem3A_71 = arith.remsi %iota3A, %rem3A_70 : vector<16xi32>
    %ne3A_72 = arith.constant 0 : i32
    %ne3A_73 = vector.broadcast %ne3A_72 : i32 to vector<16xi32>
    %ne3A_74 = arith.cmpi ne, %rem3A_71, %ne3A_73 : vector<16xi32>
    %and3A_75 = arith.andi %ne3A_69, %ne3A_74 : vector<16xi1>
    %sub3A_76 = arith.constant 1 : i32
    %sub3A_77 = vector.broadcast %sub3A_76 : i32 to vector<16xi32>
    %sub3A_78 = arith.subi %div3A_51, %sub3A_77 : vector<16xi32>
    %select_n3A_79 = arith.select %and3A_75, %sub3A_78, %div3A_51 : vector<16xi1>, vector<16xi32>
    %jit3A_80 = arith.constant 8 : i32
    %div3A_81 = arith.divsi %arg1, %jit3A_80 : i32
    %sign3A_82 = arith.constant 0 : i32
    %sign3A_83 = arith.cmpi sgt, %arg1, %sign3A_82 : i32
    %sign3A_84 = arith.extui %sign3A_83 : i1 to i32
    %sign3A_85 = arith.constant 0 : i32
    %sign3A_86 = arith.cmpi slt, %arg1, %sign3A_85 : i32
    %sign3A_87 = arith.extui %sign3A_86 : i1 to i32
    %sign3A_88 = arith.subi %sign3A_84, %sign3A_87 : i32
    %sign3A_89 = arith.constant 0 : i32
    %sign3A_90 = arith.cmpi sgt, %jit3A_80, %sign3A_89 : i32
    %sign3A_91 = arith.extui %sign3A_90 : i1 to i32
    %sign3A_92 = arith.constant 0 : i32
    %sign3A_93 = arith.cmpi slt, %jit3A_80, %sign3A_92 : i32
    %sign3A_94 = arith.extui %sign3A_93 : i1 to i32
    %sign3A_95 = arith.subi %sign3A_91, %sign3A_94 : i32
    %ne3A_96 = arith.cmpi ne, %sign3A_88, %sign3A_95 : i32
    %rem3A_97 = arith.remsi %arg1, %jit3A_80 : i32
    %ne3A_98 = arith.constant 0 : i32
    %ne3A_99 = arith.cmpi ne, %rem3A_97, %ne3A_98 : i32
    %and3A_100 = arith.andi %ne3A_96, %ne3A_99 : i1
    %sub3A_101 = arith.constant 1 : i32
    %sub3A_102 = arith.subi %div3A_81, %sub3A_101 : i32
    %select_n3A_103 = arith.select %and3A_100, %sub3A_102, %div3A_81 : i32
    %eq3A_104 = vector.broadcast %select_n3A_103 : i32 to vector<16xi32>
    %eq3A_105 = arith.cmpi eq, %select_n3A_79, %eq3A_104 : vector<16xi32>
    %lt3A_106 = vector.broadcast %arg1 : i32 to vector<16xi32>
    %lt3A_107 = arith.cmpi slt, %iota3A, %lt3A_106 : vector<16xi32>
    %and3A_108 = arith.andi %eq3A_105, %lt3A_107 : vector<16xi1>
    %jit3A_109 = arith.constant 0 : i32
    %broadcast_in_dim3A_110 = vector.broadcast %jit3A_109 : i32 to vector<16xi32>
    %select_n3A_111 = arith.select %and3A_108, %gather3A, %broadcast_in_dim3A_110 : vector<16xi1>, vector<16xi32>
    %reduce_sum3A_112 = arith.constant true
    %reduce_sum3A_113 = vector.broadcast %reduce_sum3A_112 : i1 to vector<16xi1>
    %reduce_sum3A_114 = tpu.scan <sum>, %select_n3A_111 masked %reduce_sum3A_113 : vector<16xi32>, vector<16xi1> -> vector<16xi32>
    %reduce_sum3A_115 = vector.extract %reduce_sum3A_114[15] : i32 from vector<16xi32>
    %scan3A_116 = arith.constant 0 : i32
    %scan3A_117 = arith.constant 64 : i32
    %scan3A_118 = arith.addi %scan3A_116, %scan3A_117 : i32
    %scan3A_119 = arith.constant 1 : i32
    %scan3A_120 = scf.for %scan3A_447 = %scan3A_116 to %scan3A_118 step %scan3A_119 iter_args(%scan3A_448 = %reduce_sum3A_115) -> (i32)  : i32 {
      %mul3A_449 = arith.constant 16 : i32
      %mul3A_450 = arith.muli %scan3A_447, %mul3A_449 : i32
      %get3A = arith.index_cast %mul3A_450 : i32 to index
      %get3A_451 = tpu.vector_load %arg5[%get3A] {strides = array<i32>} : memref<1024xi32, #tpu.memory_space<vmem>>, vector<16xi32>,
      %ne3A_452 = arith.constant 1 : i32
      %ne3A_453 = vector.broadcast %ne3A_452 : i32 to vector<16xi32>
      %ne3A_454 = arith.cmpi ne, %get3A_451, %ne3A_453 : vector<16xi32>
      %jit3A_455 = arith.constant 1 : i32
      %jit3A_456 = arith.constant 0 : i32
      %broadcast_in_dim3A_457 = vector.broadcast %jit3A_455 : i32 to vector<16xi32>
      %broadcast_in_dim3A_458 = vector.broadcast %jit3A_456 : i32 to vector<16xi32>
      %select_n3A_459 = arith.select %ne3A_454, %broadcast_in_dim3A_457, %broadcast_in_dim3A_458 : vector<16xi1>, vector<16xi32>
      %broadcast_in_dim3A_460 = arith.constant true
      %broadcast_in_dim3A_461 = vector.broadcast %broadcast_in_dim3A_460 : i1 to vector<16xi1>
      %masked_cumsum3A = tpu.scan <sum>, %select_n3A_459 masked %broadcast_in_dim3A_461 : vector<16xi32>, vector<16xi1> -> vector<16xi32>
      %add3A_462 = vector.broadcast %scan3A_448 : i32 to vector<16xi32>
      %add3A_463 = arith.addi %masked_cumsum3A, %add3A_462 : vector<16xi32>
      %mul3A_464 = arith.muli %add3A_463, %select_n3A_459 : vector<16xi32>
      %add3A_465 = arith.constant 1 : i32
      %add3A_466 = vector.broadcast %add3A_465 : i32 to vector<16xi32>
      %add3A_467 = arith.addi %mul3A_464, %add3A_466 : vector<16xi32>
      %mul3A_468 = arith.constant 16 : i32
      %mul3A_469 = arith.muli %scan3A_447, %mul3A_468 : i32
      %swap3A_470 = arith.index_cast %mul3A_469 : i32 to index
      %swap3A_471 = tpu.vector_load %arg6[%swap3A_470] {strides = array<i32>} : memref<1024xi32, #tpu.memory_space<vmem>>, vector<16xi32>,
      tpu.vector_store %arg6[%swap3A_470], %add3A_467 {strides = array<i32>} : memref<1024xi32, #tpu.memory_space<vmem>>, vector<16xi32>,
      %reduce_sum3A_472 = arith.constant true
      %reduce_sum3A_473 = vector.broadcast %reduce_sum3A_472 : i1 to vector<16xi1>
      %reduce_sum3A_474 = tpu.scan <sum>, %select_n3A_459 masked %reduce_sum3A_473 : vector<16xi32>, vector<16xi1> -> vector<16xi32>
      %reduce_sum3A_475 = vector.extract %reduce_sum3A_474[15] : i32 from vector<16xi32>
      %add3A_476 = arith.addi %scan3A_448, %reduce_sum3A_475 : i32
      scf.yield %add3A_476 : i32
    }
    %scan3A_121 = arith.constant 64 : i32
    %mul3A_122 = arith.constant 16 : i32
    %mul3A_123 = arith.muli %add3A, %mul3A_122 : i32
    %add3A_124 = arith.constant 0 : i32
    %add3A_125 = arith.addi %add3A_124, %mul3A_123 : i32
    %jit3A_126 = arith.constant 64 : i32
    %eq3A_127 = arith.constant 0 : i32
    %eq3A_128 = arith.cmpi eq, %jit3A_126, %eq3A_127 : i32
    %jit3A_129 = arith.constant 1 : i32
    %select_n3A_130 = arith.select %eq3A_128, %jit3A_129, %jit3A_126 : i32
    %rem3A_131 = arith.remsi %add3A_125, %select_n3A_130 : i32
    %ne3A_132 = arith.constant 0 : i32
    %ne3A_133 = arith.cmpi ne, %rem3A_131, %ne3A_132 : i32
    %lt3A_134 = arith.constant 0 : i32
    %lt3A_135 = arith.cmpi slt, %rem3A_131, %lt3A_134 : i32
    %lt3A_136 = arith.constant 0 : i32
    %lt3A_137 = arith.cmpi slt, %select_n3A_130, %lt3A_136 : i32
    %ne3A_138 = arith.xori %lt3A_135, %lt3A_137 : i1
    %and3A_139 = arith.andi %ne3A_138, %ne3A_133 : i1
    %add3A_140 = arith.addi %rem3A_131, %select_n3A_130 : i32
    %select_n3A_141 = arith.select %and3A_139, %add3A_140, %rem3A_131 : i32
    %mul3A_142 = arith.constant 16 : i32
    %mul3A_143 = arith.muli %select_n3A_141, %mul3A_142 : i32
    %dma_start3A = arith.constant 0 : i32
    %dma_start3A_144 = arith.constant 0 : i32
    %dma_start3A_145 = arith.constant 0 : i32
    %dma_start3A_146 = arith.constant 0 : i32
    %dma_start3A_147 = tpu.memref_slice %arg10[%dma_start3A, %dma_start3A_145, %dma_start3A_146] : memref<6x16x1024xf32, #tpu.memory_space<vmem>> -> memref<1x16x1024xf32, #tpu.memory_space<vmem>>
    %dma_start3A_148 = tpu.memref_squeeze %dma_start3A_147 : memref<1x16x1024xf32, #tpu.memory_space<vmem>> -> memref<16x1024xf32, #tpu.memory_space<vmem>>
    %dma_start3A_149 = tpu.memref_slice %arg6[%mul3A_143] : memref<1024xi32, #tpu.memory_space<vmem>> -> memref<16xi32, #tpu.memory_space<vmem>>
    %dma_start3A_150 = arith.constant 0 : i32
    %dma_start3A_151 = arith.constant 0 : i32
    %dma_start3A_152 = tpu.memref_slice %arg3[%dma_start3A_150, %dma_start3A_151] : memref<16384x1024xf32, #tpu.memory_space<hbm>> -> memref<16384x1024xf32, #tpu.memory_space<hbm>>
    %dma_start3A_153 = tpu.memref_slice %arg11[%dma_start3A_144] : memref<6x!tpu.dma_semaphore, #tpu.memory_space<semaphore_mem>> -> memref<1x!tpu.dma_semaphore, #tpu.memory_space<semaphore_mem>>
    %dma_start3A_154 = tpu.memref_squeeze %dma_start3A_153 : memref<1x!tpu.dma_semaphore, #tpu.memory_space<semaphore_mem>> -> memref<!tpu.dma_semaphore, #tpu.memory_space<semaphore_mem>>
    tpu.enqueue_indirect_dma source(%dma_start3A_152 : memref<16384x1024xf32, #tpu.memory_space<hbm>>) target(%dma_start3A_148 : memref<16x1024xf32, #tpu.memory_space<vmem>>) offsets(%dma_start3A_149 : memref<16xi32, #tpu.memory_space<vmem>>) semaphore(%dma_start3A_154 : memref<!tpu.dma_semaphore, #tpu.memory_space<semaphore_mem>>)
    %add3A_155 = arith.constant 1 : i32
    %add3A_156 = arith.addi %add3A_155, %mul3A_123 : i32
    %jit3A_157 = arith.constant 64 : i32
    %eq3A_158 = arith.constant 0 : i32
    %eq3A_159 = arith.cmpi eq, %jit3A_157, %eq3A_158 : i32
    %jit3A_160 = arith.constant 1 : i32
    %select_n3A_161 = arith.select %eq3A_159, %jit3A_160, %jit3A_157 : i32
    %rem3A_162 = arith.remsi %add3A_156, %select_n3A_161 : i32
    %ne3A_163 = arith.constant 0 : i32
    %ne3A_164 = arith.cmpi ne, %rem3A_162, %ne3A_163 : i32
    %lt3A_165 = arith.constant 0 : i32
    %lt3A_166 = arith.cmpi slt, %rem3A_162, %lt3A_165 : i32
    %lt3A_167 = arith.constant 0 : i32
    %lt3A_168 = arith.cmpi slt, %select_n3A_161, %lt3A_167 : i32
    %ne3A_169 = arith.xori %lt3A_166, %lt3A_168 : i1
    %and3A_170 = arith.andi %ne3A_169, %ne3A_164 : i1
    %add3A_171 = arith.addi %rem3A_162, %select_n3A_161 : i32
    %select_n3A_172 = arith.select %and3A_170, %add3A_171, %rem3A_162 : i32
    %mul3A_173 = arith.constant 16 : i32
    %mul3A_174 = arith.muli %select_n3A_172, %mul3A_173 : i32
    %dma_start3A_175 = arith.constant 1 : i32
    %dma_start3A_176 = arith.constant 1 : i32
    %dma_start3A_177 = arith.constant 0 : i32
    %dma_start3A_178 = arith.constant 0 : i32
    %dma_start3A_179 = tpu.memref_slice %arg10[%dma_start3A_175, %dma_start3A_177, %dma_start3A_178] : memref<6x16x1024xf32, #tpu.memory_space<vmem>> -> memref<1x16x1024xf32, #tpu.memory_space<vmem>>
    %dma_start3A_180 = tpu.memref_squeeze %dma_start3A_179 : memref<1x16x1024xf32, #tpu.memory_space<vmem>> -> memref<16x1024xf32, #tpu.memory_space<vmem>>
    %dma_start3A_181 = tpu.memref_slice %arg6[%mul3A_174] : memref<1024xi32, #tpu.memory_space<vmem>> -> memref<16xi32, #tpu.memory_space<vmem>>
    %dma_start3A_182 = arith.constant 0 : i32
    %dma_start3A_183 = arith.constant 0 : i32
    %dma_start3A_184 = tpu.memref_slice %arg3[%dma_start3A_182, %dma_start3A_183] : memref<16384x1024xf32, #tpu.memory_space<hbm>> -> memref<16384x1024xf32, #tpu.memory_space<hbm>>
    %dma_start3A_185 = tpu.memref_slice %arg11[%dma_start3A_176] : memref<6x!tpu.dma_semaphore, #tpu.memory_space<semaphore_mem>> -> memref<1x!tpu.dma_semaphore, #tpu.memory_space<semaphore_mem>>
    %dma_start3A_186 = tpu.memref_squeeze %dma_start3A_185 : memref<1x!tpu.dma_semaphore, #tpu.memory_space<semaphore_mem>> -> memref<!tpu.dma_semaphore, #tpu.memory_space<semaphore_mem>>
    tpu.enqueue_indirect_dma source(%dma_start3A_184 : memref<16384x1024xf32, #tpu.memory_space<hbm>>) target(%dma_start3A_180 : memref<16x1024xf32, #tpu.memory_space<vmem>>) offsets(%dma_start3A_181 : memref<16xi32, #tpu.memory_space<vmem>>) semaphore(%dma_start3A_186 : memref<!tpu.dma_semaphore, #tpu.memory_space<semaphore_mem>>)
    %add3A_187 = arith.constant 2 : i32
    %add3A_188 = arith.addi %add3A_187, %mul3A_123 : i32
    %jit3A_189 = arith.constant 64 : i32
    %eq3A_190 = arith.constant 0 : i32
    %eq3A_191 = arith.cmpi eq, %jit3A_189, %eq3A_190 : i32
    %jit3A_192 = arith.constant 1 : i32
    %select_n3A_193 = arith.select %eq3A_191, %jit3A_192, %jit3A_189 : i32
    %rem3A_194 = arith.remsi %add3A_188, %select_n3A_193 : i32
    %ne3A_195 = arith.constant 0 : i32
    %ne3A_196 = arith.cmpi ne, %rem3A_194, %ne3A_195 : i32
    %lt3A_197 = arith.constant 0 : i32
    %lt3A_198 = arith.cmpi slt, %rem3A_194, %lt3A_197 : i32
    %lt3A_199 = arith.constant 0 : i32
    %lt3A_200 = arith.cmpi slt, %select_n3A_193, %lt3A_199 : i32
    %ne3A_201 = arith.xori %lt3A_198, %lt3A_200 : i1
    %and3A_202 = arith.andi %ne3A_201, %ne3A_196 : i1
    %add3A_203 = arith.addi %rem3A_194, %select_n3A_193 : i32
    %select_n3A_204 = arith.select %and3A_202, %add3A_203, %rem3A_194 : i32
    %mul3A_205 = arith.constant 16 : i32
    %mul3A_206 = arith.muli %select_n3A_204, %mul3A_205 : i32
    %dma_start3A_207 = arith.constant 2 : i32
    %dma_start3A_208 = arith.constant 2 : i32
    %dma_start3A_209 = arith.constant 0 : i32
    %dma_start3A_210 = arith.constant 0 : i32
    %dma_start3A_211 = tpu.memref_slice %arg10[%dma_start3A_207, %dma_start3A_209, %dma_start3A_210] : memref<6x16x1024xf32, #tpu.memory_space<vmem>> -> memref<1x16x1024xf32, #tpu.memory_space<vmem>>
    %dma_start3A_212 = tpu.memref_squeeze %dma_start3A_211 : memref<1x16x1024xf32, #tpu.memory_space<vmem>> -> memref<16x1024xf32, #tpu.memory_space<vmem>>
    %dma_start3A_213 = tpu.memref_slice %arg6[%mul3A_206] : memref<1024xi32, #tpu.memory_space<vmem>> -> memref<16xi32, #tpu.memory_space<vmem>>
    %dma_start3A_214 = arith.constant 0 : i32
    %dma_start3A_215 = arith.constant 0 : i32
    %dma_start3A_216 = tpu.memref_slice %arg3[%dma_start3A_214, %dma_start3A_215] : memref<16384x1024xf32, #tpu.memory_space<hbm>> -> memref<16384x1024xf32, #tpu.memory_space<hbm>>
    %dma_start3A_217 = tpu.memref_slice %arg11[%dma_start3A_208] : memref<6x!tpu.dma_semaphore, #tpu.memory_space<semaphore_mem>> -> memref<1x!tpu.dma_semaphore, #tpu.memory_space<semaphore_mem>>
    %dma_start3A_218 = tpu.memref_squeeze %dma_start3A_217 : memref<1x!tpu.dma_semaphore, #tpu.memory_space<semaphore_mem>> -> memref<!tpu.dma_semaphore, #tpu.memory_space<semaphore_mem>>
    tpu.enqueue_indirect_dma source(%dma_start3A_216 : memref<16384x1024xf32, #tpu.memory_space<hbm>>) target(%dma_start3A_212 : memref<16x1024xf32, #tpu.memory_space<vmem>>) offsets(%dma_start3A_213 : memref<16xi32, #tpu.memory_space<vmem>>) semaphore(%dma_start3A_218 : memref<!tpu.dma_semaphore, #tpu.memory_space<semaphore_mem>>)
    %scan3A_219 = arith.constant 0 : i32
    %scan3A_220 = arith.constant 0 : i32
    %scan3A_221 = arith.constant 11 : i32
    %scan3A_222 = arith.addi %scan3A_220, %scan3A_221 : i32
    %scan3A_223 = arith.constant 1 : i32
    %scan3A_224 = scf.for %scan3A_447 = %scan3A_220 to %scan3A_222 step %scan3A_223 iter_args(%scan3A_448 = %scan3A_219) -> (i32)  : i32 {
      %mul3A_449 = arith.constant 6 : i32
      %mul3A_450 = arith.muli %scan3A_447, %mul3A_449 : i32
      %add3A_451 = arith.constant 0 : i32
      %add3A_452 = arith.addi %mul3A_450, %add3A_451 : i32
      %add3A_453 = arith.constant 3 : i32
      %add3A_454 = arith.addi %add3A_452, %add3A_453 : i32
      %lt3A_455 = arith.constant 64 : i32
      %lt3A_456 = arith.cmpi slt, %add3A_454, %lt3A_455 : i32
      %convert_element_type3A = arith.extui %lt3A_456 : i1 to i32
      %cond3A = arith.constant 0 : i32
      %cond3A_457 = arith.cmpi ne, %convert_element_type3A, %cond3A : i32
      scf.if %cond3A_457 {
        %add3A_544 = arith.constant 3 : i32
        %add3A_545 = arith.addi %add3A_452, %add3A_544 : i32
        %jit3A_546 = arith.constant 6 : i32
        %eq3A_547 = arith.constant 0 : i32
        %eq3A_548 = arith.cmpi eq, %jit3A_546, %eq3A_547 : i32
        %jit3A_549 = arith.constant 1 : i32
        %select_n3A_550 = arith.select %eq3A_548, %jit3A_549, %jit3A_546 : i32
        %rem3A_551 = arith.remsi %add3A_545, %select_n3A_550 : i32
        %ne3A_552 = arith.constant 0 : i32
        %ne3A_553 = arith.cmpi ne, %rem3A_551, %ne3A_552 : i32
        %lt3A_554 = arith.constant 0 : i32
        %lt3A_555 = arith.cmpi slt, %rem3A_551, %lt3A_554 : i32
        %lt3A_556 = arith.constant 0 : i32
        %lt3A_557 = arith.cmpi slt, %select_n3A_550, %lt3A_556 : i32
        %ne3A_558 = arith.xori %lt3A_555, %lt3A_557 : i1
        %and3A_559 = arith.andi %ne3A_558, %ne3A_553 : i1
        %add3A_560 = arith.addi %rem3A_551, %select_n3A_550 : i32
        %select_n3A_561 = arith.select %and3A_559, %add3A_560, %rem3A_551 : i32
        %add3A_562 = arith.constant 3 : i32
        %add3A_563 = arith.addi %add3A_452, %add3A_562 : i32
        %ge3A = arith.constant 6 : i32
        %ge3A_564 = arith.cmpi sge, %add3A_563, %ge3A : i32
        %convert_element_type3A_565 = arith.extui %ge3A_564 : i1 to i32
        %cond3A_566 = arith.constant 0 : i32
        %cond3A_567 = arith.cmpi ne, %convert_element_type3A_565, %cond3A_566 : i32
        scf.if %cond3A_567 {
          %add3A_599 = arith.constant 3 : i32
          %add3A_600 = arith.addi %add3A_452, %add3A_599 : i32
          %sub3A_601 = arith.constant 6 : i32
          %sub3A_602 = arith.subi %add3A_600, %sub3A_601 : i32
          %add3A_603 = arith.addi %sub3A_602, %mul3A_123 : i32
          %jit3A_604 = arith.constant 64 : i32
          %eq3A_605 = arith.constant 0 : i32
          %eq3A_606 = arith.cmpi eq, %jit3A_604, %eq3A_605 : i32
          %jit3A_607 = arith.constant 1 : i32
          %select_n3A_608 = arith.select %eq3A_606, %jit3A_607, %jit3A_604 : i32
          %rem3A_609 = arith.remsi %add3A_603, %select_n3A_608 : i32
          %ne3A_610 = arith.constant 0 : i32
          %ne3A_611 = arith.cmpi ne, %rem3A_609, %ne3A_610 : i32
          %lt3A_612 = arith.constant 0 : i32
          %lt3A_613 = arith.cmpi slt, %rem3A_609, %lt3A_612 : i32
          %lt3A_614 = arith.constant 0 : i32
          %lt3A_615 = arith.cmpi slt, %select_n3A_608, %lt3A_614 : i32
          %ne3A_616 = arith.xori %lt3A_613, %lt3A_615 : i1
          %and3A_617 = arith.andi %ne3A_616, %ne3A_611 : i1
          %add3A_618 = arith.addi %rem3A_609, %select_n3A_608 : i32
          %select_n3A_619 = arith.select %and3A_617, %add3A_618, %rem3A_609 : i32
          %mul3A_620 = arith.constant 16 : i32
          %mul3A_621 = arith.muli %select_n3A_619, %mul3A_620 : i32
          %add3A_622 = arith.addi %add3A_35, %mul3A_621 : i32
          %dma_wait3A_623 = arith.constant 0 : i32
          %dma_wait3A_624 = arith.constant 0 : i32
          %dma_wait3A_625 = tpu.memref_slice %arg10[%select_n3A_561, %dma_wait3A_623, %dma_wait3A_624] : memref<6x16x1024xf32, #tpu.memory_space<vmem>> -> memref<1x16x1024xf32, #tpu.memory_space<vmem>>
          %dma_wait3A_626 = tpu.memref_squeeze %dma_wait3A_625 : memref<1x16x1024xf32, #tpu.memory_space<vmem>> -> memref<16x1024xf32, #tpu.memory_space<vmem>>
          %dma_wait3A_627 = arith.constant 0 : i32
          %dma_wait3A_628 = tpu.memref_slice %arg4[%add3A_622, %dma_wait3A_627] : memref<32768x1024xf32, #tpu.memory_space<hbm>> -> memref<16x1024xf32, #tpu.memory_space<hbm>>
          %dma_wait3A_629 = tpu.memref_slice %arg12[%select_n3A_561] : memref<6x!tpu.dma_semaphore, #tpu.memory_space<semaphore_mem>> -> memref<1x!tpu.dma_semaphore, #tpu.memory_space<semaphore_mem>>
          %dma_wait3A_630 = tpu.memref_squeeze %dma_wait3A_629 : memref<1x!tpu.dma_semaphore, #tpu.memory_space<semaphore_mem>> -> memref<!tpu.dma_semaphore, #tpu.memory_space<semaphore_mem>>
          %dma_wait3A_631 = arith.constant 0 : i32
          %dma_wait3A_632 = tpu.memref_slice %arg4[%add3A_622, %dma_wait3A_631] : memref<32768x1024xf32, #tpu.memory_space<hbm>> -> memref<16x1024xf32, #tpu.memory_space<hbm>>
          %dma_wait3A_633 = arith.constant 0 : i32
          %dma_wait3A_634 = arith.constant 0 : i32
          %dma_wait3A_635 = tpu.memref_slice %arg10[%select_n3A_561, %dma_wait3A_633, %dma_wait3A_634] : memref<6x16x1024xf32, #tpu.memory_space<vmem>> -> memref<1x16x1024xf32, #tpu.memory_space<vmem>>
          %dma_wait3A_636 = tpu.memref_squeeze %dma_wait3A_635 : memref<1x16x1024xf32, #tpu.memory_space<vmem>> -> memref<16x1024xf32, #tpu.memory_space<vmem>>
          tpu.wait_dma2 semaphore(%dma_wait3A_630 : memref<!tpu.dma_semaphore, #tpu.memory_space<semaphore_mem>>) src(%dma_wait3A_636 : memref<16x1024xf32, #tpu.memory_space<vmem>>) dst(%dma_wait3A_632 : memref<16x1024xf32, #tpu.memory_space<hbm>>)
        } else {
        }
        %add3A_568 = arith.constant 3 : i32
        %add3A_569 = arith.addi %add3A_452, %add3A_568 : i32
        %add3A_570 = arith.addi %add3A_569, %mul3A_123 : i32
        %jit3A_571 = arith.constant 64 : i32
        %eq3A_572 = arith.constant 0 : i32
        %eq3A_573 = arith.cmpi eq, %jit3A_571, %eq3A_572 : i32
        %jit3A_574 = arith.constant 1 : i32
        %select_n3A_575 = arith.select %eq3A_573, %jit3A_574, %jit3A_571 : i32
        %rem3A_576 = arith.remsi %add3A_570, %select_n3A_575 : i32
        %ne3A_577 = arith.constant 0 : i32
        %ne3A_578 = arith.cmpi ne, %rem3A_576, %ne3A_577 : i32
        %lt3A_579 = arith.constant 0 : i32
        %lt3A_580 = arith.cmpi slt, %rem3A_576, %lt3A_579 : i32
        %lt3A_581 = arith.constant 0 : i32
        %lt3A_582 = arith.cmpi slt, %select_n3A_575, %lt3A_581 : i32
        %ne3A_583 = arith.xori %lt3A_580, %lt3A_582 : i1
        %and3A_584 = arith.andi %ne3A_583, %ne3A_578 : i1
        %add3A_585 = arith.addi %rem3A_576, %select_n3A_575 : i32
        %select_n3A_586 = arith.select %and3A_584, %add3A_585, %rem3A_576 : i32
        %mul3A_587 = arith.constant 16 : i32
        %mul3A_588 = arith.muli %select_n3A_586, %mul3A_587 : i32
        %dma_start3A_589 = arith.constant 0 : i32
        %dma_start3A_590 = arith.constant 0 : i32
        %dma_start3A_591 = tpu.memref_slice %arg10[%select_n3A_561, %dma_start3A_589, %dma_start3A_590] : memref<6x16x1024xf32, #tpu.memory_space<vmem>> -> memref<1x16x1024xf32, #tpu.memory_space<vmem>>
        %dma_start3A_592 = tpu.memref_squeeze %dma_start3A_591 : memref<1x16x1024xf32, #tpu.memory_space<vmem>> -> memref<16x1024xf32, #tpu.memory_space<vmem>>
        %dma_start3A_593 = tpu.memref_slice %arg6[%mul3A_588] : memref<1024xi32, #tpu.memory_space<vmem>> -> memref<16xi32, #tpu.memory_space<vmem>>
        %dma_start3A_594 = arith.constant 0 : i32
        %dma_start3A_595 = arith.constant 0 : i32
        %dma_start3A_596 = tpu.memref_slice %arg3[%dma_start3A_594, %dma_start3A_595] : memref<16384x1024xf32, #tpu.memory_space<hbm>> -> memref<16384x1024xf32, #tpu.memory_space<hbm>>
        %dma_start3A_597 = tpu.memref_slice %arg11[%select_n3A_561] : memref<6x!tpu.dma_semaphore, #tpu.memory_space<semaphore_mem>> -> memref<1x!tpu.dma_semaphore, #tpu.memory_space<semaphore_mem>>
        %dma_start3A_598 = tpu.memref_squeeze %dma_start3A_597 : memref<1x!tpu.dma_semaphore, #tpu.memory_space<semaphore_mem>> -> memref<!tpu.dma_semaphore, #tpu.memory_space<semaphore_mem>>
        tpu.enqueue_indirect_dma source(%dma_start3A_596 : memref<16384x1024xf32, #tpu.memory_space<hbm>>) target(%dma_start3A_592 : memref<16x1024xf32, #tpu.memory_space<vmem>>) offsets(%dma_start3A_593 : memref<16xi32, #tpu.memory_space<vmem>>) semaphore(%dma_start3A_598 : memref<!tpu.dma_semaphore, #tpu.memory_space<semaphore_mem>>)
      } else {
      }
      %lt3A_458 = arith.constant 64 : i32
      %lt3A_459 = arith.cmpi slt, %add3A_452, %lt3A_458 : i32
      %convert_element_type3A_460 = arith.extui %lt3A_459 : i1 to i32
      %cond3A_461 = arith.constant 0 : i32
      %cond3A_462 = arith.cmpi ne, %convert_element_type3A_460, %cond3A_461 : i32
      scf.if %cond3A_462 {
        %dma_wait3A_544 = arith.constant 0 : i32
        %dma_wait3A_545 = arith.constant 0 : i32
        %dma_wait3A_546 = arith.constant 0 : i32
        %dma_wait3A_547 = arith.constant 0 : i32
        %dma_wait3A_548 = tpu.memref_slice %arg10[%dma_wait3A_544, %dma_wait3A_546, %dma_wait3A_547] : memref<6x16x1024xf32, #tpu.memory_space<vmem>> -> memref<1x16x1024xf32, #tpu.memory_space<vmem>>
        %dma_wait3A_549 = tpu.memref_squeeze %dma_wait3A_548 : memref<1x16x1024xf32, #tpu.memory_space<vmem>> -> memref<16x1024xf32, #tpu.memory_space<vmem>>
        %dma_wait3A_550 = arith.constant 0 : i32
        %dma_wait3A_551 = tpu.memref_slice %arg6[%dma_wait3A_550] : memref<1024xi32, #tpu.memory_space<vmem>> -> memref<16xi32, #tpu.memory_space<vmem>>
        %dma_wait3A_552 = arith.constant 0 : i32
        %dma_wait3A_553 = arith.constant 0 : i32
        %dma_wait3A_554 = tpu.memref_slice %arg3[%dma_wait3A_552, %dma_wait3A_553] : memref<16384x1024xf32, #tpu.memory_space<hbm>> -> memref<16384x1024xf32, #tpu.memory_space<hbm>>
        %dma_wait3A_555 = tpu.memref_slice %arg11[%dma_wait3A_545] : memref<6x!tpu.dma_semaphore, #tpu.memory_space<semaphore_mem>> -> memref<1x!tpu.dma_semaphore, #tpu.memory_space<semaphore_mem>>
        %dma_wait3A_556 = tpu.memref_squeeze %dma_wait3A_555 : memref<1x!tpu.dma_semaphore, #tpu.memory_space<semaphore_mem>> -> memref<!tpu.dma_semaphore, #tpu.memory_space<semaphore_mem>>
        tpu.wait_indirect_dma semaphore(%dma_wait3A_556 : memref<!tpu.dma_semaphore, #tpu.memory_space<semaphore_mem>>) src(%dma_wait3A_554 : memref<16384x1024xf32, #tpu.memory_space<hbm>>) dst(%dma_wait3A_549 : memref<16x1024xf32, #tpu.memory_space<vmem>>)
        %add3A_557 = arith.addi %add3A_452, %mul3A_123 : i32
        %jit3A_558 = arith.constant 64 : i32
        %eq3A_559 = arith.constant 0 : i32
        %eq3A_560 = arith.cmpi eq, %jit3A_558, %eq3A_559 : i32
        %jit3A_561 = arith.constant 1 : i32
        %select_n3A_562 = arith.select %eq3A_560, %jit3A_561, %jit3A_558 : i32
        %rem3A_563 = arith.remsi %add3A_557, %select_n3A_562 : i32
        %ne3A_564 = arith.constant 0 : i32
        %ne3A_565 = arith.cmpi ne, %rem3A_563, %ne3A_564 : i32
        %lt3A_566 = arith.constant 0 : i32
        %lt3A_567 = arith.cmpi slt, %rem3A_563, %lt3A_566 : i32
        %lt3A_568 = arith.constant 0 : i32
        %lt3A_569 = arith.cmpi slt, %select_n3A_562, %lt3A_568 : i32
        %ne3A_570 = arith.xori %lt3A_567, %lt3A_569 : i1
        %and3A_571 = arith.andi %ne3A_570, %ne3A_565 : i1
        %add3A_572 = arith.addi %rem3A_563, %select_n3A_562 : i32
        %select_n3A_573 = arith.select %and3A_571, %add3A_572, %rem3A_563 : i32
        %mul3A_574 = arith.constant 16 : i32
        %mul3A_575 = arith.muli %select_n3A_573, %mul3A_574 : i32
        %add3A_576 = arith.addi %add3A_35, %mul3A_575 : i32
        %dma_start3A_577 = arith.constant 0 : i32
        %dma_start3A_578 = arith.constant 0 : i32
        %dma_start3A_579 = arith.constant 0 : i32
        %dma_start3A_580 = arith.constant 0 : i32
        %dma_start3A_581 = tpu.memref_slice %arg10[%dma_start3A_577, %dma_start3A_579, %dma_start3A_580] : memref<6x16x1024xf32, #tpu.memory_space<vmem>> -> memref<1x16x1024xf32, #tpu.memory_space<vmem>>
        %dma_start3A_582 = tpu.memref_squeeze %dma_start3A_581 : memref<1x16x1024xf32, #tpu.memory_space<vmem>> -> memref<16x1024xf32, #tpu.memory_space<vmem>>
        %dma_start3A_583 = arith.constant 0 : i32
        %dma_start3A_584 = tpu.memref_slice %arg4[%add3A_576, %dma_start3A_583] : memref<32768x1024xf32, #tpu.memory_space<hbm>> -> memref<16x1024xf32, #tpu.memory_space<hbm>>
        %dma_start3A_585 = tpu.memref_slice %arg12[%dma_start3A_578] : memref<6x!tpu.dma_semaphore, #tpu.memory_space<semaphore_mem>> -> memref<1x!tpu.dma_semaphore, #tpu.memory_space<semaphore_mem>>
        %dma_start3A_586 = tpu.memref_squeeze %dma_start3A_585 : memref<1x!tpu.dma_semaphore, #tpu.memory_space<semaphore_mem>> -> memref<!tpu.dma_semaphore, #tpu.memory_space<semaphore_mem>>
        %dma_start3A_587 = arith.constant 0 : i32
        %dma_start3A_588 = tpu.memref_slice %arg4[%add3A_576, %dma_start3A_587] : memref<32768x1024xf32, #tpu.memory_space<hbm>> -> memref<16x1024xf32, #tpu.memory_space<hbm>>
        %dma_start3A_589 = arith.constant 0 : i32
        %dma_start3A_590 = arith.constant 0 : i32
        %dma_start3A_591 = tpu.memref_slice %arg10[%dma_start3A_577, %dma_start3A_589, %dma_start3A_590] : memref<6x16x1024xf32, #tpu.memory_space<vmem>> -> memref<1x16x1024xf32, #tpu.memory_space<vmem>>
        %dma_start3A_592 = tpu.memref_squeeze %dma_start3A_591 : memref<1x16x1024xf32, #tpu.memory_space<vmem>> -> memref<16x1024xf32, #tpu.memory_space<vmem>>
        tpu.enqueue_dma source(%dma_start3A_592 : memref<16x1024xf32, #tpu.memory_space<vmem>>) target(%dma_start3A_588 : memref<16x1024xf32, #tpu.memory_space<hbm>>) target_semaphore(%dma_start3A_586 : memref<!tpu.dma_semaphore, #tpu.memory_space<semaphore_mem>>)
      } else {
      }
      %mul3A_463 = arith.constant 6 : i32
      %mul3A_464 = arith.muli %scan3A_447, %mul3A_463 : i32
      %add3A_465 = arith.constant 1 : i32
      %add3A_466 = arith.addi %mul3A_464, %add3A_465 : i32
      %add3A_467 = arith.constant 3 : i32
      %add3A_468 = arith.addi %add3A_466, %add3A_467 : i32
      %lt3A_469 = arith.constant 64 : i32
      %lt3A_470 = arith.cmpi slt, %add3A_468, %lt3A_469 : i32
      %convert_element_type3A_471 = arith.extui %lt3A_470 : i1 to i32
      %cond3A_472 = arith.constant 0 : i32
      %cond3A_473 = arith.cmpi ne, %convert_element_type3A_471, %cond3A_472 : i32
      scf.if %cond3A_473 {
        %add3A_544 = arith.constant 3 : i32
        %add3A_545 = arith.addi %add3A_466, %add3A_544 : i32
        %jit3A_546 = arith.constant 6 : i32
        %eq3A_547 = arith.constant 0 : i32
        %eq3A_548 = arith.cmpi eq, %jit3A_546, %eq3A_547 : i32
        %jit3A_549 = arith.constant 1 : i32
        %select_n3A_550 = arith.select %eq3A_548, %jit3A_549, %jit3A_546 : i32
        %rem3A_551 = arith.remsi %add3A_545, %select_n3A_550 : i32
        %ne3A_552 = arith.constant 0 : i32
        %ne3A_553 = arith.cmpi ne, %rem3A_551, %ne3A_552 : i32
        %lt3A_554 = arith.constant 0 : i32
        %lt3A_555 = arith.cmpi slt, %rem3A_551, %lt3A_554 : i32
        %lt3A_556 = arith.constant 0 : i32
        %lt3A_557 = arith.cmpi slt, %select_n3A_550, %lt3A_556 : i32
        %ne3A_558 = arith.xori %lt3A_555, %lt3A_557 : i1
        %and3A_559 = arith.andi %ne3A_558, %ne3A_553 : i1
        %add3A_560 = arith.addi %rem3A_551, %select_n3A_550 : i32
        %select_n3A_561 = arith.select %and3A_559, %add3A_560, %rem3A_551 : i32
        %add3A_562 = arith.constant 3 : i32
        %add3A_563 = arith.addi %add3A_466, %add3A_562 : i32
        %ge3A = arith.constant 6 : i32
        %ge3A_564 = arith.cmpi sge, %add3A_563, %ge3A : i32
        %convert_element_type3A_565 = arith.extui %ge3A_564 : i1 to i32
        %cond3A_566 = arith.constant 0 : i32
        %cond3A_567 = arith.cmpi ne, %convert_element_type3A_565, %cond3A_566 : i32
        scf.if %cond3A_567 {
          %add3A_599 = arith.constant 3 : i32
          %add3A_600 = arith.addi %add3A_466, %add3A_599 : i32
          %sub3A_601 = arith.constant 6 : i32
          %sub3A_602 = arith.subi %add3A_600, %sub3A_601 : i32
          %add3A_603 = arith.addi %sub3A_602, %mul3A_123 : i32
          %jit3A_604 = arith.constant 64 : i32
          %eq3A_605 = arith.constant 0 : i32
          %eq3A_606 = arith.cmpi eq, %jit3A_604, %eq3A_605 : i32
          %jit3A_607 = arith.constant 1 : i32
          %select_n3A_608 = arith.select %eq3A_606, %jit3A_607, %jit3A_604 : i32
          %rem3A_609 = arith.remsi %add3A_603, %select_n3A_608 : i32
          %ne3A_610 = arith.constant 0 : i32
          %ne3A_611 = arith.cmpi ne, %rem3A_609, %ne3A_610 : i32
          %lt3A_612 = arith.constant 0 : i32
          %lt3A_613 = arith.cmpi slt, %rem3A_609, %lt3A_612 : i32
          %lt3A_614 = arith.constant 0 : i32
          %lt3A_615 = arith.cmpi slt, %select_n3A_608, %lt3A_614 : i32
          %ne3A_616 = arith.xori %lt3A_613, %lt3A_615 : i1
          %and3A_617 = arith.andi %ne3A_616, %ne3A_611 : i1
          %add3A_618 = arith.addi %rem3A_609, %select_n3A_608 : i32
          %select_n3A_619 = arith.select %and3A_617, %add3A_618, %rem3A_609 : i32
          %mul3A_620 = arith.constant 16 : i32
          %mul3A_621 = arith.muli %select_n3A_619, %mul3A_620 : i32
          %add3A_622 = arith.addi %add3A_35, %mul3A_621 : i32
          %dma_wait3A_623 = arith.constant 0 : i32
          %dma_wait3A_624 = arith.constant 0 : i32
          %dma_wait3A_625 = tpu.memref_slice %arg10[%select_n3A_561, %dma_wait3A_623, %dma_wait3A_624] : memref<6x16x1024xf32, #tpu.memory_space<vmem>> -> memref<1x16x1024xf32, #tpu.memory_space<vmem>>
          %dma_wait3A_626 = tpu.memref_squeeze %dma_wait3A_625 : memref<1x16x1024xf32, #tpu.memory_space<vmem>> -> memref<16x1024xf32, #tpu.memory_space<vmem>>
          %dma_wait3A_627 = arith.constant 0 : i32
          %dma_wait3A_628 = tpu.memref_slice %arg4[%add3A_622, %dma_wait3A_627] : memref<32768x1024xf32, #tpu.memory_space<hbm>> -> memref<16x1024xf32, #tpu.memory_space<hbm>>
          %dma_wait3A_629 = tpu.memref_slice %arg12[%select_n3A_561] : memref<6x!tpu.dma_semaphore, #tpu.memory_space<semaphore_mem>> -> memref<1x!tpu.dma_semaphore, #tpu.memory_space<semaphore_mem>>
          %dma_wait3A_630 = tpu.memref_squeeze %dma_wait3A_629 : memref<1x!tpu.dma_semaphore, #tpu.memory_space<semaphore_mem>> -> memref<!tpu.dma_semaphore, #tpu.memory_space<semaphore_mem>>
          %dma_wait3A_631 = arith.constant 0 : i32
          %dma_wait3A_632 = tpu.memref_slice %arg4[%add3A_622, %dma_wait3A_631] : memref<32768x1024xf32, #tpu.memory_space<hbm>> -> memref<16x1024xf32, #tpu.memory_space<hbm>>
          %dma_wait3A_633 = arith.constant 0 : i32
          %dma_wait3A_634 = arith.constant 0 : i32
          %dma_wait3A_635 = tpu.memref_slice %arg10[%select_n3A_561, %dma_wait3A_633, %dma_wait3A_634] : memref<6x16x1024xf32, #tpu.memory_space<vmem>> -> memref<1x16x1024xf32, #tpu.memory_space<vmem>>
          %dma_wait3A_636 = tpu.memref_squeeze %dma_wait3A_635 : memref<1x16x1024xf32, #tpu.memory_space<vmem>> -> memref<16x1024xf32, #tpu.memory_space<vmem>>
          tpu.wait_dma2 semaphore(%dma_wait3A_630 : memref<!tpu.dma_semaphore, #tpu.memory_space<semaphore_mem>>) src(%dma_wait3A_636 : memref<16x1024xf32, #tpu.memory_space<vmem>>) dst(%dma_wait3A_632 : memref<16x1024xf32, #tpu.memory_space<hbm>>)
        } else {
        }
        %add3A_568 = arith.constant 3 : i32
        %add3A_569 = arith.addi %add3A_466, %add3A_568 : i32
        %add3A_570 = arith.addi %add3A_569, %mul3A_123 : i32
        %jit3A_571 = arith.constant 64 : i32
        %eq3A_572 = arith.constant 0 : i32
        %eq3A_573 = arith.cmpi eq, %jit3A_571, %eq3A_572 : i32
        %jit3A_574 = arith.constant 1 : i32
        %select_n3A_575 = arith.select %eq3A_573, %jit3A_574, %jit3A_571 : i32
        %rem3A_576 = arith.remsi %add3A_570, %select_n3A_575 : i32
        %ne3A_577 = arith.constant 0 : i32
        %ne3A_578 = arith.cmpi ne, %rem3A_576, %ne3A_577 : i32
        %lt3A_579 = arith.constant 0 : i32
        %lt3A_580 = arith.cmpi slt, %rem3A_576, %lt3A_579 : i32
        %lt3A_581 = arith.constant 0 : i32
        %lt3A_582 = arith.cmpi slt, %select_n3A_575, %lt3A_581 : i32
        %ne3A_583 = arith.xori %lt3A_580, %lt3A_582 : i1
        %and3A_584 = arith.andi %ne3A_583, %ne3A_578 : i1
        %add3A_585 = arith.addi %rem3A_576, %select_n3A_575 : i32
        %select_n3A_586 = arith.select %and3A_584, %add3A_585, %rem3A_576 : i32
        %mul3A_587 = arith.constant 16 : i32
        %mul3A_588 = arith.muli %select_n3A_586, %mul3A_587 : i32
        %dma_start3A_589 = arith.constant 0 : i32
        %dma_start3A_590 = arith.constant 0 : i32
        %dma_start3A_591 = tpu.memref_slice %arg10[%select_n3A_561, %dma_start3A_589, %dma_start3A_590] : memref<6x16x1024xf32, #tpu.memory_space<vmem>> -> memref<1x16x1024xf32, #tpu.memory_space<vmem>>
        %dma_start3A_592 = tpu.memref_squeeze %dma_start3A_591 : memref<1x16x1024xf32, #tpu.memory_space<vmem>> -> memref<16x1024xf32, #tpu.memory_space<vmem>>
        %dma_start3A_593 = tpu.memref_slice %arg6[%mul3A_588] : memref<1024xi32, #tpu.memory_space<vmem>> -> memref<16xi32, #tpu.memory_space<vmem>>
        %dma_start3A_594 = arith.constant 0 : i32
        %dma_start3A_595 = arith.constant 0 : i32
        %dma_start3A_596 = tpu.memref_slice %arg3[%dma_start3A_594, %dma_start3A_595] : memref<16384x1024xf32, #tpu.memory_space<hbm>> -> memref<16384x1024xf32, #tpu.memory_space<hbm>>
        %dma_start3A_597 = tpu.memref_slice %arg11[%select_n3A_561] : memref<6x!tpu.dma_semaphore, #tpu.memory_space<semaphore_mem>> -> memref<1x!tpu.dma_semaphore, #tpu.memory_space<semaphore_mem>>
        %dma_start3A_598 = tpu.memref_squeeze %dma_start3A_597 : memref<1x!tpu.dma_semaphore, #tpu.memory_space<semaphore_mem>> -> memref<!tpu.dma_semaphore, #tpu.memory_space<semaphore_mem>>
        tpu.enqueue_indirect_dma source(%dma_start3A_596 : memref<16384x1024xf32, #tpu.memory_space<hbm>>) target(%dma_start3A_592 : memref<16x1024xf32, #tpu.memory_space<vmem>>) offsets(%dma_start3A_593 : memref<16xi32, #tpu.memory_space<vmem>>) semaphore(%dma_start3A_598 : memref<!tpu.dma_semaphore, #tpu.memory_space<semaphore_mem>>)
      } else {
      }
      %lt3A_474 = arith.constant 64 : i32
      %lt3A_475 = arith.cmpi slt, %add3A_466, %lt3A_474 : i32
      %convert_element_type3A_476 = arith.extui %lt3A_475 : i1 to i32
      %cond3A_477 = arith.constant 0 : i32
      %cond3A_478 = arith.cmpi ne, %convert_element_type3A_476, %cond3A_477 : i32
      scf.if %cond3A_478 {
        %dma_wait3A_544 = arith.constant 1 : i32
        %dma_wait3A_545 = arith.constant 1 : i32
        %dma_wait3A_546 = arith.constant 0 : i32
        %dma_wait3A_547 = arith.constant 0 : i32
        %dma_wait3A_548 = tpu.memref_slice %arg10[%dma_wait3A_544, %dma_wait3A_546, %dma_wait3A_547] : memref<6x16x1024xf32, #tpu.memory_space<vmem>> -> memref<1x16x1024xf32, #tpu.memory_space<vmem>>
        %dma_wait3A_549 = tpu.memref_squeeze %dma_wait3A_548 : memref<1x16x1024xf32, #tpu.memory_space<vmem>> -> memref<16x1024xf32, #tpu.memory_space<vmem>>
        %dma_wait3A_550 = arith.constant 0 : i32
        %dma_wait3A_551 = tpu.memref_slice %arg6[%dma_wait3A_550] : memref<1024xi32, #tpu.memory_space<vmem>> -> memref<16xi32, #tpu.memory_space<vmem>>
        %dma_wait3A_552 = arith.constant 0 : i32
        %dma_wait3A_553 = arith.constant 0 : i32
        %dma_wait3A_554 = tpu.memref_slice %arg3[%dma_wait3A_552, %dma_wait3A_553] : memref<16384x1024xf32, #tpu.memory_space<hbm>> -> memref<16384x1024xf32, #tpu.memory_space<hbm>>
        %dma_wait3A_555 = tpu.memref_slice %arg11[%dma_wait3A_545] : memref<6x!tpu.dma_semaphore, #tpu.memory_space<semaphore_mem>> -> memref<1x!tpu.dma_semaphore, #tpu.memory_space<semaphore_mem>>
        %dma_wait3A_556 = tpu.memref_squeeze %dma_wait3A_555 : memref<1x!tpu.dma_semaphore, #tpu.memory_space<semaphore_mem>> -> memref<!tpu.dma_semaphore, #tpu.memory_space<semaphore_mem>>
        tpu.wait_indirect_dma semaphore(%dma_wait3A_556 : memref<!tpu.dma_semaphore, #tpu.memory_space<semaphore_mem>>) src(%dma_wait3A_554 : memref<16384x1024xf32, #tpu.memory_space<hbm>>) dst(%dma_wait3A_549 : memref<16x1024xf32, #tpu.memory_space<vmem>>)
        %add3A_557 = arith.addi %add3A_466, %mul3A_123 : i32
        %jit3A_558 = arith.constant 64 : i32
        %eq3A_559 = arith.constant 0 : i32
        %eq3A_560 = arith.cmpi eq, %jit3A_558, %eq3A_559 : i32
        %jit3A_561 = arith.constant 1 : i32
        %select_n3A_562 = arith.select %eq3A_560, %jit3A_561, %jit3A_558 : i32
        %rem3A_563 = arith.remsi %add3A_557, %select_n3A_562 : i32
        %ne3A_564 = arith.constant 0 : i32
        %ne3A_565 = arith.cmpi ne, %rem3A_563, %ne3A_564 : i32
        %lt3A_566 = arith.constant 0 : i32
        %lt3A_567 = arith.cmpi slt, %rem3A_563, %lt3A_566 : i32
        %lt3A_568 = arith.constant 0 : i32
        %lt3A_569 = arith.cmpi slt, %select_n3A_562, %lt3A_568 : i32
        %ne3A_570 = arith.xori %lt3A_567, %lt3A_569 : i1
        %and3A_571 = arith.andi %ne3A_570, %ne3A_565 : i1
        %add3A_572 = arith.addi %rem3A_563, %select_n3A_562 : i32
        %select_n3A_573 = arith.select %and3A_571, %add3A_572, %rem3A_563 : i32
        %mul3A_574 = arith.constant 16 : i32
        %mul3A_575 = arith.muli %select_n3A_573, %mul3A_574 : i32
        %add3A_576 = arith.addi %add3A_35, %mul3A_575 : i32
        %dma_start3A_577 = arith.constant 1 : i32
        %dma_start3A_578 = arith.constant 1 : i32
        %dma_start3A_579 = arith.constant 0 : i32
        %dma_start3A_580 = arith.constant 0 : i32
        %dma_start3A_581 = tpu.memref_slice %arg10[%dma_start3A_577, %dma_start3A_579, %dma_start3A_580] : memref<6x16x1024xf32, #tpu.memory_space<vmem>> -> memref<1x16x1024xf32, #tpu.memory_space<vmem>>
        %dma_start3A_582 = tpu.memref_squeeze %dma_start3A_581 : memref<1x16x1024xf32, #tpu.memory_space<vmem>> -> memref<16x1024xf32, #tpu.memory_space<vmem>>
        %dma_start3A_583 = arith.constant 0 : i32
        %dma_start3A_584 = tpu.memref_slice %arg4[%add3A_576, %dma_start3A_583] : memref<32768x1024xf32, #tpu.memory_space<hbm>> -> memref<16x1024xf32, #tpu.memory_space<hbm>>
        %dma_start3A_585 = tpu.memref_slice %arg12[%dma_start3A_578] : memref<6x!tpu.dma_semaphore, #tpu.memory_space<semaphore_mem>> -> memref<1x!tpu.dma_semaphore, #tpu.memory_space<semaphore_mem>>
        %dma_start3A_586 = tpu.memref_squeeze %dma_start3A_585 : memref<1x!tpu.dma_semaphore, #tpu.memory_space<semaphore_mem>> -> memref<!tpu.dma_semaphore, #tpu.memory_space<semaphore_mem>>
        %dma_start3A_587 = arith.constant 0 : i32
        %dma_start3A_588 = tpu.memref_slice %arg4[%add3A_576, %dma_start3A_587] : memref<32768x1024xf32, #tpu.memory_space<hbm>> -> memref<16x1024xf32, #tpu.memory_space<hbm>>
        %dma_start3A_589 = arith.constant 0 : i32
        %dma_start3A_590 = arith.constant 0 : i32
        %dma_start3A_591 = tpu.memref_slice %arg10[%dma_start3A_577, %dma_start3A_589, %dma_start3A_590] : memref<6x16x1024xf32, #tpu.memory_space<vmem>> -> memref<1x16x1024xf32, #tpu.memory_space<vmem>>
        %dma_start3A_592 = tpu.memref_squeeze %dma_start3A_591 : memref<1x16x1024xf32, #tpu.memory_space<vmem>> -> memref<16x1024xf32, #tpu.memory_space<vmem>>
        tpu.enqueue_dma source(%dma_start3A_592 : memref<16x1024xf32, #tpu.memory_space<vmem>>) target(%dma_start3A_588 : memref<16x1024xf32, #tpu.memory_space<hbm>>) target_semaphore(%dma_start3A_586 : memref<!tpu.dma_semaphore, #tpu.memory_space<semaphore_mem>>)
      } else {
      }
      %mul3A_479 = arith.constant 6 : i32
      %mul3A_480 = arith.muli %scan3A_447, %mul3A_479 : i32
      %add3A_481 = arith.constant 2 : i32
      %add3A_482 = arith.addi %mul3A_480, %add3A_481 : i32
      %add3A_483 = arith.constant 3 : i32
      %add3A_484 = arith.addi %add3A_482, %add3A_483 : i32
      %lt3A_485 = arith.constant 64 : i32
      %lt3A_486 = arith.cmpi slt, %add3A_484, %lt3A_485 : i32
      %convert_element_type3A_487 = arith.extui %lt3A_486 : i1 to i32
      %cond3A_488 = arith.constant 0 : i32
      %cond3A_489 = arith.cmpi ne, %convert_element_type3A_487, %cond3A_488 : i32
      scf.if %cond3A_489 {
        %add3A_544 = arith.constant 3 : i32
        %add3A_545 = arith.addi %add3A_482, %add3A_544 : i32
        %jit3A_546 = arith.constant 6 : i32
        %eq3A_547 = arith.constant 0 : i32
        %eq3A_548 = arith.cmpi eq, %jit3A_546, %eq3A_547 : i32
        %jit3A_549 = arith.constant 1 : i32
        %select_n3A_550 = arith.select %eq3A_548, %jit3A_549, %jit3A_546 : i32
        %rem3A_551 = arith.remsi %add3A_545, %select_n3A_550 : i32
        %ne3A_552 = arith.constant 0 : i32
        %ne3A_553 = arith.cmpi ne, %rem3A_551, %ne3A_552 : i32
        %lt3A_554 = arith.constant 0 : i32
        %lt3A_555 = arith.cmpi slt, %rem3A_551, %lt3A_554 : i32
        %lt3A_556 = arith.constant 0 : i32
        %lt3A_557 = arith.cmpi slt, %select_n3A_550, %lt3A_556 : i32
        %ne3A_558 = arith.xori %lt3A_555, %lt3A_557 : i1
        %and3A_559 = arith.andi %ne3A_558, %ne3A_553 : i1
        %add3A_560 = arith.addi %rem3A_551, %select_n3A_550 : i32
        %select_n3A_561 = arith.select %and3A_559, %add3A_560, %rem3A_551 : i32
        %add3A_562 = arith.constant 3 : i32
        %add3A_563 = arith.addi %add3A_482, %add3A_562 : i32
        %ge3A = arith.constant 6 : i32
        %ge3A_564 = arith.cmpi sge, %add3A_563, %ge3A : i32
        %convert_element_type3A_565 = arith.extui %ge3A_564 : i1 to i32
        %cond3A_566 = arith.constant 0 : i32
        %cond3A_567 = arith.cmpi ne, %convert_element_type3A_565, %cond3A_566 : i32
        scf.if %cond3A_567 {
          %add3A_599 = arith.constant 3 : i32
          %add3A_600 = arith.addi %add3A_482, %add3A_599 : i32
          %sub3A_601 = arith.constant 6 : i32
          %sub3A_602 = arith.subi %add3A_600, %sub3A_601 : i32
          %add3A_603 = arith.addi %sub3A_602, %mul3A_123 : i32
          %jit3A_604 = arith.constant 64 : i32
          %eq3A_605 = arith.constant 0 : i32
          %eq3A_606 = arith.cmpi eq, %jit3A_604, %eq3A_605 : i32
          %jit3A_607 = arith.constant 1 : i32
          %select_n3A_608 = arith.select %eq3A_606, %jit3A_607, %jit3A_604 : i32
          %rem3A_609 = arith.remsi %add3A_603, %select_n3A_608 : i32
          %ne3A_610 = arith.constant 0 : i32
          %ne3A_611 = arith.cmpi ne, %rem3A_609, %ne3A_610 : i32
          %lt3A_612 = arith.constant 0 : i32
          %lt3A_613 = arith.cmpi slt, %rem3A_609, %lt3A_612 : i32
          %lt3A_614 = arith.constant 0 : i32
          %lt3A_615 = arith.cmpi slt, %select_n3A_608, %lt3A_614 : i32
          %ne3A_616 = arith.xori %lt3A_613, %lt3A_615 : i1
          %and3A_617 = arith.andi %ne3A_616, %ne3A_611 : i1
          %add3A_618 = arith.addi %rem3A_609, %select_n3A_608 : i32
          %select_n3A_619 = arith.select %and3A_617, %add3A_618, %rem3A_609 : i32
          %mul3A_620 = arith.constant 16 : i32
          %mul3A_621 = arith.muli %select_n3A_619, %mul3A_620 : i32
          %add3A_622 = arith.addi %add3A_35, %mul3A_621 : i32
          %dma_wait3A_623 = arith.constant 0 : i32
          %dma_wait3A_624 = arith.constant 0 : i32
          %dma_wait3A_625 = tpu.memref_slice %arg10[%select_n3A_561, %dma_wait3A_623, %dma_wait3A_624] : memref<6x16x1024xf32, #tpu.memory_space<vmem>> -> memref<1x16x1024xf32, #tpu.memory_space<vmem>>
          %dma_wait3A_626 = tpu.memref_squeeze %dma_wait3A_625 : memref<1x16x1024xf32, #tpu.memory_space<vmem>> -> memref<16x1024xf32, #tpu.memory_space<vmem>>
          %dma_wait3A_627 = arith.constant 0 : i32
          %dma_wait3A_628 = tpu.memref_slice %arg4[%add3A_622, %dma_wait3A_627] : memref<32768x1024xf32, #tpu.memory_space<hbm>> -> memref<16x1024xf32, #tpu.memory_space<hbm>>
          %dma_wait3A_629 = tpu.memref_slice %arg12[%select_n3A_561] : memref<6x!tpu.dma_semaphore, #tpu.memory_space<semaphore_mem>> -> memref<1x!tpu.dma_semaphore, #tpu.memory_space<semaphore_mem>>
          %dma_wait3A_630 = tpu.memref_squeeze %dma_wait3A_629 : memref<1x!tpu.dma_semaphore, #tpu.memory_space<semaphore_mem>> -> memref<!tpu.dma_semaphore, #tpu.memory_space<semaphore_mem>>
          %dma_wait3A_631 = arith.constant 0 : i32
          %dma_wait3A_632 = tpu.memref_slice %arg4[%add3A_622, %dma_wait3A_631] : memref<32768x1024xf32, #tpu.memory_space<hbm>> -> memref<16x1024xf32, #tpu.memory_space<hbm>>
          %dma_wait3A_633 = arith.constant 0 : i32
          %dma_wait3A_634 = arith.constant 0 : i32
          %dma_wait3A_635 = tpu.memref_slice %arg10[%select_n3A_561, %dma_wait3A_633, %dma_wait3A_634] : memref<6x16x1024xf32, #tpu.memory_space<vmem>> -> memref<1x16x1024xf32, #tpu.memory_space<vmem>>
          %dma_wait3A_636 = tpu.memref_squeeze %dma_wait3A_635 : memref<1x16x1024xf32, #tpu.memory_space<vmem>> -> memref<16x1024xf32, #tpu.memory_space<vmem>>
          tpu.wait_dma2 semaphore(%dma_wait3A_630 : memref<!tpu.dma_semaphore, #tpu.memory_space<semaphore_mem>>) src(%dma_wait3A_636 : memref<16x1024xf32, #tpu.memory_space<vmem>>) dst(%dma_wait3A_632 : memref<16x1024xf32, #tpu.memory_space<hbm>>)
        } else {
        }
        %add3A_568 = arith.constant 3 : i32
        %add3A_569 = arith.addi %add3A_482, %add3A_568 : i32
        %add3A_570 = arith.addi %add3A_569, %mul3A_123 : i32
        %jit3A_571 = arith.constant 64 : i32
        %eq3A_572 = arith.constant 0 : i32
        %eq3A_573 = arith.cmpi eq, %jit3A_571, %eq3A_572 : i32
        %jit3A_574 = arith.constant 1 : i32
        %select_n3A_575 = arith.select %eq3A_573, %jit3A_574, %jit3A_571 : i32
        %rem3A_576 = arith.remsi %add3A_570, %select_n3A_575 : i32
        %ne3A_577 = arith.constant 0 : i32
        %ne3A_578 = arith.cmpi ne, %rem3A_576, %ne3A_577 : i32
        %lt3A_579 = arith.constant 0 : i32
        %lt3A_580 = arith.cmpi slt, %rem3A_576, %lt3A_579 : i32
        %lt3A_581 = arith.constant 0 : i32
        %lt3A_582 = arith.cmpi slt, %select_n3A_575, %lt3A_581 : i32
        %ne3A_583 = arith.xori %lt3A_580, %lt3A_582 : i1
        %and3A_584 = arith.andi %ne3A_583, %ne3A_578 : i1
        %add3A_585 = arith.addi %rem3A_576, %select_n3A_575 : i32
        %select_n3A_586 = arith.select %and3A_584, %add3A_585, %rem3A_576 : i32
        %mul3A_587 = arith.constant 16 : i32
        %mul3A_588 = arith.muli %select_n3A_586, %mul3A_587 : i32
        %dma_start3A_589 = arith.constant 0 : i32
        %dma_start3A_590 = arith.constant 0 : i32
        %dma_start3A_591 = tpu.memref_slice %arg10[%select_n3A_561, %dma_start3A_589, %dma_start3A_590] : memref<6x16x1024xf32, #tpu.memory_space<vmem>> -> memref<1x16x1024xf32, #tpu.memory_space<vmem>>
        %dma_start3A_592 = tpu.memref_squeeze %dma_start3A_591 : memref<1x16x1024xf32, #tpu.memory_space<vmem>> -> memref<16x1024xf32, #tpu.memory_space<vmem>>
        %dma_start3A_593 = tpu.memref_slice %arg6[%mul3A_588] : memref<1024xi32, #tpu.memory_space<vmem>> -> memref<16xi32, #tpu.memory_space<vmem>>
        %dma_start3A_594 = arith.constant 0 : i32
        %dma_start3A_595 = arith.constant 0 : i32
        %dma_start3A_596 = tpu.memref_slice %arg3[%dma_start3A_594, %dma_start3A_595] : memref<16384x1024xf32, #tpu.memory_space<hbm>> -> memref<16384x1024xf32, #tpu.memory_space<hbm>>
        %dma_start3A_597 = tpu.memref_slice %arg11[%select_n3A_561] : memref<6x!tpu.dma_semaphore, #tpu.memory_space<semaphore_mem>> -> memref<1x!tpu.dma_semaphore, #tpu.memory_space<semaphore_mem>>
        %dma_start3A_598 = tpu.memref_squeeze %dma_start3A_597 : memref<1x!tpu.dma_semaphore, #tpu.memory_space<semaphore_mem>> -> memref<!tpu.dma_semaphore, #tpu.memory_space<semaphore_mem>>
        tpu.enqueue_indirect_dma source(%dma_start3A_596 : memref<16384x1024xf32, #tpu.memory_space<hbm>>) target(%dma_start3A_592 : memref<16x1024xf32, #tpu.memory_space<vmem>>) offsets(%dma_start3A_593 : memref<16xi32, #tpu.memory_space<vmem>>) semaphore(%dma_start3A_598 : memref<!tpu.dma_semaphore, #tpu.memory_space<semaphore_mem>>)
      } else {
      }
      %lt3A_490 = arith.constant 64 : i32
      %lt3A_491 = arith.cmpi slt, %add3A_482, %lt3A_490 : i32
      %convert_element_type3A_492 = arith.extui %lt3A_491 : i1 to i32
      %cond3A_493 = arith.constant 0 : i32
      %cond3A_494 = arith.cmpi ne, %convert_element_type3A_492, %cond3A_493 : i32
      scf.if %cond3A_494 {
        %dma_wait3A_544 = arith.constant 2 : i32
        %dma_wait3A_545 = arith.constant 2 : i32
        %dma_wait3A_546 = arith.constant 0 : i32
        %dma_wait3A_547 = arith.constant 0 : i32
        %dma_wait3A_548 = tpu.memref_slice %arg10[%dma_wait3A_544, %dma_wait3A_546, %dma_wait3A_547] : memref<6x16x1024xf32, #tpu.memory_space<vmem>> -> memref<1x16x1024xf32, #tpu.memory_space<vmem>>
        %dma_wait3A_549 = tpu.memref_squeeze %dma_wait3A_548 : memref<1x16x1024xf32, #tpu.memory_space<vmem>> -> memref<16x1024xf32, #tpu.memory_space<vmem>>
        %dma_wait3A_550 = arith.constant 0 : i32
        %dma_wait3A_551 = tpu.memref_slice %arg6[%dma_wait3A_550] : memref<1024xi32, #tpu.memory_space<vmem>> -> memref<16xi32, #tpu.memory_space<vmem>>
        %dma_wait3A_552 = arith.constant 0 : i32
        %dma_wait3A_553 = arith.constant 0 : i32
        %dma_wait3A_554 = tpu.memref_slice %arg3[%dma_wait3A_552, %dma_wait3A_553] : memref<16384x1024xf32, #tpu.memory_space<hbm>> -> memref<16384x1024xf32, #tpu.memory_space<hbm>>
        %dma_wait3A_555 = tpu.memref_slice %arg11[%dma_wait3A_545] : memref<6x!tpu.dma_semaphore, #tpu.memory_space<semaphore_mem>> -> memref<1x!tpu.dma_semaphore, #tpu.memory_space<semaphore_mem>>
        %dma_wait3A_556 = tpu.memref_squeeze %dma_wait3A_555 : memref<1x!tpu.dma_semaphore, #tpu.memory_space<semaphore_mem>> -> memref<!tpu.dma_semaphore, #tpu.memory_space<semaphore_mem>>
        tpu.wait_indirect_dma semaphore(%dma_wait3A_556 : memref<!tpu.dma_semaphore, #tpu.memory_space<semaphore_mem>>) src(%dma_wait3A_554 : memref<16384x1024xf32, #tpu.memory_space<hbm>>) dst(%dma_wait3A_549 : memref<16x1024xf32, #tpu.memory_space<vmem>>)
        %add3A_557 = arith.addi %add3A_482, %mul3A_123 : i32
        %jit3A_558 = arith.constant 64 : i32
        %eq3A_559 = arith.constant 0 : i32
        %eq3A_560 = arith.cmpi eq, %jit3A_558, %eq3A_559 : i32
        %jit3A_561 = arith.constant 1 : i32
        %select_n3A_562 = arith.select %eq3A_560, %jit3A_561, %jit3A_558 : i32
        %rem3A_563 = arith.remsi %add3A_557, %select_n3A_562 : i32
        %ne3A_564 = arith.constant 0 : i32
        %ne3A_565 = arith.cmpi ne, %rem3A_563, %ne3A_564 : i32
        %lt3A_566 = arith.constant 0 : i32
        %lt3A_567 = arith.cmpi slt, %rem3A_563, %lt3A_566 : i32
        %lt3A_568 = arith.constant 0 : i32
        %lt3A_569 = arith.cmpi slt, %select_n3A_562, %lt3A_568 : i32
        %ne3A_570 = arith.xori %lt3A_567, %lt3A_569 : i1
        %and3A_571 = arith.andi %ne3A_570, %ne3A_565 : i1
        %add3A_572 = arith.addi %rem3A_563, %select_n3A_562 : i32
        %select_n3A_573 = arith.select %and3A_571, %add3A_572, %rem3A_563 : i32
        %mul3A_574 = arith.constant 16 : i32
        %mul3A_575 = arith.muli %select_n3A_573, %mul3A_574 : i32
        %add3A_576 = arith.addi %add3A_35, %mul3A_575 : i32
        %dma_start3A_577 = arith.constant 2 : i32
        %dma_start3A_578 = arith.constant 2 : i32
        %dma_start3A_579 = arith.constant 0 : i32
        %dma_start3A_580 = arith.constant 0 : i32
        %dma_start3A_581 = tpu.memref_slice %arg10[%dma_start3A_577, %dma_start3A_579, %dma_start3A_580] : memref<6x16x1024xf32, #tpu.memory_space<vmem>> -> memref<1x16x1024xf32, #tpu.memory_space<vmem>>
        %dma_start3A_582 = tpu.memref_squeeze %dma_start3A_581 : memref<1x16x1024xf32, #tpu.memory_space<vmem>> -> memref<16x1024xf32, #tpu.memory_space<vmem>>
        %dma_start3A_583 = arith.constant 0 : i32
        %dma_start3A_584 = tpu.memref_slice %arg4[%add3A_576, %dma_start3A_583] : memref<32768x1024xf32, #tpu.memory_space<hbm>> -> memref<16x1024xf32, #tpu.memory_space<hbm>>
        %dma_start3A_585 = tpu.memref_slice %arg12[%dma_start3A_578] : memref<6x!tpu.dma_semaphore, #tpu.memory_space<semaphore_mem>> -> memref<1x!tpu.dma_semaphore, #tpu.memory_space<semaphore_mem>>
        %dma_start3A_586 = tpu.memref_squeeze %dma_start3A_585 : memref<1x!tpu.dma_semaphore, #tpu.memory_space<semaphore_mem>> -> memref<!tpu.dma_semaphore, #tpu.memory_space<semaphore_mem>>
        %dma_start3A_587 = arith.constant 0 : i32
        %dma_start3A_588 = tpu.memref_slice %arg4[%add3A_576, %dma_start3A_587] : memref<32768x1024xf32, #tpu.memory_space<hbm>> -> memref<16x1024xf32, #tpu.memory_space<hbm>>
        %dma_start3A_589 = arith.constant 0 : i32
        %dma_start3A_590 = arith.constant 0 : i32
        %dma_start3A_591 = tpu.memref_slice %arg10[%dma_start3A_577, %dma_start3A_589, %dma_start3A_590] : memref<6x16x1024xf32, #tpu.memory_space<vmem>> -> memref<1x16x1024xf32, #tpu.memory_space<vmem>>
        %dma_start3A_592 = tpu.memref_squeeze %dma_start3A_591 : memref<1x16x1024xf32, #tpu.memory_space<vmem>> -> memref<16x1024xf32, #tpu.memory_space<vmem>>
        tpu.enqueue_dma source(%dma_start3A_592 : memref<16x1024xf32, #tpu.memory_space<vmem>>) target(%dma_start3A_588 : memref<16x1024xf32, #tpu.memory_space<hbm>>) target_semaphore(%dma_start3A_586 : memref<!tpu.dma_semaphore, #tpu.memory_space<semaphore_mem>>)
      } else {
      }
      %mul3A_495 = arith.constant 6 : i32
      %mul3A_496 = arith.muli %scan3A_447, %mul3A_495 : i32
      %add3A_497 = arith.constant 3 : i32
      %add3A_498 = arith.addi %mul3A_496, %add3A_497 : i32
      %add3A_499 = arith.constant 3 : i32
      %add3A_500 = arith.addi %add3A_498, %add3A_499 : i32
      %lt3A_501 = arith.constant 64 : i32
      %lt3A_502 = arith.cmpi slt, %add3A_500, %lt3A_501 : i32
      %convert_element_type3A_503 = arith.extui %lt3A_502 : i1 to i32
      %cond3A_504 = arith.constant 0 : i32
      %cond3A_505 = arith.cmpi ne, %convert_element_type3A_503, %cond3A_504 : i32
      scf.if %cond3A_505 {
        %add3A_544 = arith.constant 3 : i32
        %add3A_545 = arith.addi %add3A_498, %add3A_544 : i32
        %jit3A_546 = arith.constant 6 : i32
        %eq3A_547 = arith.constant 0 : i32
        %eq3A_548 = arith.cmpi eq, %jit3A_546, %eq3A_547 : i32
        %jit3A_549 = arith.constant 1 : i32
        %select_n3A_550 = arith.select %eq3A_548, %jit3A_549, %jit3A_546 : i32
        %rem3A_551 = arith.remsi %add3A_545, %select_n3A_550 : i32
        %ne3A_552 = arith.constant 0 : i32
        %ne3A_553 = arith.cmpi ne, %rem3A_551, %ne3A_552 : i32
        %lt3A_554 = arith.constant 0 : i32
        %lt3A_555 = arith.cmpi slt, %rem3A_551, %lt3A_554 : i32
        %lt3A_556 = arith.constant 0 : i32
        %lt3A_557 = arith.cmpi slt, %select_n3A_550, %lt3A_556 : i32
        %ne3A_558 = arith.xori %lt3A_555, %lt3A_557 : i1
        %and3A_559 = arith.andi %ne3A_558, %ne3A_553 : i1
        %add3A_560 = arith.addi %rem3A_551, %select_n3A_550 : i32
        %select_n3A_561 = arith.select %and3A_559, %add3A_560, %rem3A_551 : i32
        %add3A_562 = arith.constant 3 : i32
        %add3A_563 = arith.addi %add3A_498, %add3A_562 : i32
        %ge3A = arith.constant 6 : i32
        %ge3A_564 = arith.cmpi sge, %add3A_563, %ge3A : i32
        %convert_element_type3A_565 = arith.extui %ge3A_564 : i1 to i32
        %cond3A_566 = arith.constant 0 : i32
        %cond3A_567 = arith.cmpi ne, %convert_element_type3A_565, %cond3A_566 : i32
        scf.if %cond3A_567 {
          %add3A_599 = arith.constant 3 : i32
          %add3A_600 = arith.addi %add3A_498, %add3A_599 : i32
          %sub3A_601 = arith.constant 6 : i32
          %sub3A_602 = arith.subi %add3A_600, %sub3A_601 : i32
          %add3A_603 = arith.addi %sub3A_602, %mul3A_123 : i32
          %jit3A_604 = arith.constant 64 : i32
          %eq3A_605 = arith.constant 0 : i32
          %eq3A_606 = arith.cmpi eq, %jit3A_604, %eq3A_605 : i32
          %jit3A_607 = arith.constant 1 : i32
          %select_n3A_608 = arith.select %eq3A_606, %jit3A_607, %jit3A_604 : i32
          %rem3A_609 = arith.remsi %add3A_603, %select_n3A_608 : i32
          %ne3A_610 = arith.constant 0 : i32
          %ne3A_611 = arith.cmpi ne, %rem3A_609, %ne3A_610 : i32
          %lt3A_612 = arith.constant 0 : i32
          %lt3A_613 = arith.cmpi slt, %rem3A_609, %lt3A_612 : i32
          %lt3A_614 = arith.constant 0 : i32
          %lt3A_615 = arith.cmpi slt, %select_n3A_608, %lt3A_614 : i32
          %ne3A_616 = arith.xori %lt3A_613, %lt3A_615 : i1
          %and3A_617 = arith.andi %ne3A_616, %ne3A_611 : i1
          %add3A_618 = arith.addi %rem3A_609, %select_n3A_608 : i32
          %select_n3A_619 = arith.select %and3A_617, %add3A_618, %rem3A_609 : i32
          %mul3A_620 = arith.constant 16 : i32
          %mul3A_621 = arith.muli %select_n3A_619, %mul3A_620 : i32
          %add3A_622 = arith.addi %add3A_35, %mul3A_621 : i32
          %dma_wait3A_623 = arith.constant 0 : i32
          %dma_wait3A_624 = arith.constant 0 : i32
          %dma_wait3A_625 = tpu.memref_slice %arg10[%select_n3A_561, %dma_wait3A_623, %dma_wait3A_624] : memref<6x16x1024xf32, #tpu.memory_space<vmem>> -> memref<1x16x1024xf32, #tpu.memory_space<vmem>>
          %dma_wait3A_626 = tpu.memref_squeeze %dma_wait3A_625 : memref<1x16x1024xf32, #tpu.memory_space<vmem>> -> memref<16x1024xf32, #tpu.memory_space<vmem>>
          %dma_wait3A_627 = arith.constant 0 : i32
          %dma_wait3A_628 = tpu.memref_slice %arg4[%add3A_622, %dma_wait3A_627] : memref<32768x1024xf32, #tpu.memory_space<hbm>> -> memref<16x1024xf32, #tpu.memory_space<hbm>>
          %dma_wait3A_629 = tpu.memref_slice %arg12[%select_n3A_561] : memref<6x!tpu.dma_semaphore, #tpu.memory_space<semaphore_mem>> -> memref<1x!tpu.dma_semaphore, #tpu.memory_space<semaphore_mem>>
          %dma_wait3A_630 = tpu.memref_squeeze %dma_wait3A_629 : memref<1x!tpu.dma_semaphore, #tpu.memory_space<semaphore_mem>> -> memref<!tpu.dma_semaphore, #tpu.memory_space<semaphore_mem>>
          %dma_wait3A_631 = arith.constant 0 : i32
          %dma_wait3A_632 = tpu.memref_slice %arg4[%add3A_622, %dma_wait3A_631] : memref<32768x1024xf32, #tpu.memory_space<hbm>> -> memref<16x1024xf32, #tpu.memory_space<hbm>>
          %dma_wait3A_633 = arith.constant 0 : i32
          %dma_wait3A_634 = arith.constant 0 : i32
          %dma_wait3A_635 = tpu.memref_slice %arg10[%select_n3A_561, %dma_wait3A_633, %dma_wait3A_634] : memref<6x16x1024xf32, #tpu.memory_space<vmem>> -> memref<1x16x1024xf32, #tpu.memory_space<vmem>>
          %dma_wait3A_636 = tpu.memref_squeeze %dma_wait3A_635 : memref<1x16x1024xf32, #tpu.memory_space<vmem>> -> memref<16x1024xf32, #tpu.memory_space<vmem>>
          tpu.wait_dma2 semaphore(%dma_wait3A_630 : memref<!tpu.dma_semaphore, #tpu.memory_space<semaphore_mem>>) src(%dma_wait3A_636 : memref<16x1024xf32, #tpu.memory_space<vmem>>) dst(%dma_wait3A_632 : memref<16x1024xf32, #tpu.memory_space<hbm>>)
        } else {
        }
        %add3A_568 = arith.constant 3 : i32
        %add3A_569 = arith.addi %add3A_498, %add3A_568 : i32
        %add3A_570 = arith.addi %add3A_569, %mul3A_123 : i32
        %jit3A_571 = arith.constant 64 : i32
        %eq3A_572 = arith.constant 0 : i32
        %eq3A_573 = arith.cmpi eq, %jit3A_571, %eq3A_572 : i32
        %jit3A_574 = arith.constant 1 : i32
        %select_n3A_575 = arith.select %eq3A_573, %jit3A_574, %jit3A_571 : i32
        %rem3A_576 = arith.remsi %add3A_570, %select_n3A_575 : i32
        %ne3A_577 = arith.constant 0 : i32
        %ne3A_578 = arith.cmpi ne, %rem3A_576, %ne3A_577 : i32
        %lt3A_579 = arith.constant 0 : i32
        %lt3A_580 = arith.cmpi slt, %rem3A_576, %lt3A_579 : i32
        %lt3A_581 = arith.constant 0 : i32
        %lt3A_582 = arith.cmpi slt, %select_n3A_575, %lt3A_581 : i32
        %ne3A_583 = arith.xori %lt3A_580, %lt3A_582 : i1
        %and3A_584 = arith.andi %ne3A_583, %ne3A_578 : i1
        %add3A_585 = arith.addi %rem3A_576, %select_n3A_575 : i32
        %select_n3A_586 = arith.select %and3A_584, %add3A_585, %rem3A_576 : i32
        %mul3A_587 = arith.constant 16 : i32
        %mul3A_588 = arith.muli %select_n3A_586, %mul3A_587 : i32
        %dma_start3A_589 = arith.constant 0 : i32
        %dma_start3A_590 = arith.constant 0 : i32
        %dma_start3A_591 = tpu.memref_slice %arg10[%select_n3A_561, %dma_start3A_589, %dma_start3A_590] : memref<6x16x1024xf32, #tpu.memory_space<vmem>> -> memref<1x16x1024xf32, #tpu.memory_space<vmem>>
        %dma_start3A_592 = tpu.memref_squeeze %dma_start3A_591 : memref<1x16x1024xf32, #tpu.memory_space<vmem>> -> memref<16x1024xf32, #tpu.memory_space<vmem>>
        %dma_start3A_593 = tpu.memref_slice %arg6[%mul3A_588] : memref<1024xi32, #tpu.memory_space<vmem>> -> memref<16xi32, #tpu.memory_space<vmem>>
        %dma_start3A_594 = arith.constant 0 : i32
        %dma_start3A_595 = arith.constant 0 : i32
        %dma_start3A_596 = tpu.memref_slice %arg3[%dma_start3A_594, %dma_start3A_595] : memref<16384x1024xf32, #tpu.memory_space<hbm>> -> memref<16384x1024xf32, #tpu.memory_space<hbm>>
        %dma_start3A_597 = tpu.memref_slice %arg11[%select_n3A_561] : memref<6x!tpu.dma_semaphore, #tpu.memory_space<semaphore_mem>> -> memref<1x!tpu.dma_semaphore, #tpu.memory_space<semaphore_mem>>
        %dma_start3A_598 = tpu.memref_squeeze %dma_start3A_597 : memref<1x!tpu.dma_semaphore, #tpu.memory_space<semaphore_mem>> -> memref<!tpu.dma_semaphore, #tpu.memory_space<semaphore_mem>>
        tpu.enqueue_indirect_dma source(%dma_start3A_596 : memref<16384x1024xf32, #tpu.memory_space<hbm>>) target(%dma_start3A_592 : memref<16x1024xf32, #tpu.memory_space<vmem>>) offsets(%dma_start3A_593 : memref<16xi32, #tpu.memory_space<vmem>>) semaphore(%dma_start3A_598 : memref<!tpu.dma_semaphore, #tpu.memory_space<semaphore_mem>>)
      } else {
      }
      %lt3A_506 = arith.constant 64 : i32
      %lt3A_507 = arith.cmpi slt, %add3A_498, %lt3A_506 : i32
      %convert_element_type3A_508 = arith.extui %lt3A_507 : i1 to i32
      %cond3A_509 = arith.constant 0 : i32
      %cond3A_510 = arith.cmpi ne, %convert_element_type3A_508, %cond3A_509 : i32
      scf.if %cond3A_510 {
        %dma_wait3A_544 = arith.constant 3 : i32
        %dma_wait3A_545 = arith.constant 3 : i32
        %dma_wait3A_546 = arith.constant 0 : i32
        %dma_wait3A_547 = arith.constant 0 : i32
        %dma_wait3A_548 = tpu.memref_slice %arg10[%dma_wait3A_544, %dma_wait3A_546, %dma_wait3A_547] : memref<6x16x1024xf32, #tpu.memory_space<vmem>> -> memref<1x16x1024xf32, #tpu.memory_space<vmem>>
        %dma_wait3A_549 = tpu.memref_squeeze %dma_wait3A_548 : memref<1x16x1024xf32, #tpu.memory_space<vmem>> -> memref<16x1024xf32, #tpu.memory_space<vmem>>
        %dma_wait3A_550 = arith.constant 0 : i32
        %dma_wait3A_551 = tpu.memref_slice %arg6[%dma_wait3A_550] : memref<1024xi32, #tpu.memory_space<vmem>> -> memref<16xi32, #tpu.memory_space<vmem>>
        %dma_wait3A_552 = arith.constant 0 : i32
        %dma_wait3A_553 = arith.constant 0 : i32
        %dma_wait3A_554 = tpu.memref_slice %arg3[%dma_wait3A_552, %dma_wait3A_553] : memref<16384x1024xf32, #tpu.memory_space<hbm>> -> memref<16384x1024xf32, #tpu.memory_space<hbm>>
        %dma_wait3A_555 = tpu.memref_slice %arg11[%dma_wait3A_545] : memref<6x!tpu.dma_semaphore, #tpu.memory_space<semaphore_mem>> -> memref<1x!tpu.dma_semaphore, #tpu.memory_space<semaphore_mem>>
        %dma_wait3A_556 = tpu.memref_squeeze %dma_wait3A_555 : memref<1x!tpu.dma_semaphore, #tpu.memory_space<semaphore_mem>> -> memref<!tpu.dma_semaphore, #tpu.memory_space<semaphore_mem>>
        tpu.wait_indirect_dma semaphore(%dma_wait3A_556 : memref<!tpu.dma_semaphore, #tpu.memory_space<semaphore_mem>>) src(%dma_wait3A_554 : memref<16384x1024xf32, #tpu.memory_space<hbm>>) dst(%dma_wait3A_549 : memref<16x1024xf32, #tpu.memory_space<vmem>>)
        %add3A_557 = arith.addi %add3A_498, %mul3A_123 : i32
        %jit3A_558 = arith.constant 64 : i32
        %eq3A_559 = arith.constant 0 : i32
        %eq3A_560 = arith.cmpi eq, %jit3A_558, %eq3A_559 : i32
        %jit3A_561 = arith.constant 1 : i32
        %select_n3A_562 = arith.select %eq3A_560, %jit3A_561, %jit3A_558 : i32
        %rem3A_563 = arith.remsi %add3A_557, %select_n3A_562 : i32
        %ne3A_564 = arith.constant 0 : i32
        %ne3A_565 = arith.cmpi ne, %rem3A_563, %ne3A_564 : i32
        %lt3A_566 = arith.constant 0 : i32
        %lt3A_567 = arith.cmpi slt, %rem3A_563, %lt3A_566 : i32
        %lt3A_568 = arith.constant 0 : i32
        %lt3A_569 = arith.cmpi slt, %select_n3A_562, %lt3A_568 : i32
        %ne3A_570 = arith.xori %lt3A_567, %lt3A_569 : i1
        %and3A_571 = arith.andi %ne3A_570, %ne3A_565 : i1
        %add3A_572 = arith.addi %rem3A_563, %select_n3A_562 : i32
        %select_n3A_573 = arith.select %and3A_571, %add3A_572, %rem3A_563 : i32
        %mul3A_574 = arith.constant 16 : i32
        %mul3A_575 = arith.muli %select_n3A_573, %mul3A_574 : i32
        %add3A_576 = arith.addi %add3A_35, %mul3A_575 : i32
        %dma_start3A_577 = arith.constant 3 : i32
        %dma_start3A_578 = arith.constant 3 : i32
        %dma_start3A_579 = arith.constant 0 : i32
        %dma_start3A_580 = arith.constant 0 : i32
        %dma_start3A_581 = tpu.memref_slice %arg10[%dma_start3A_577, %dma_start3A_579, %dma_start3A_580] : memref<6x16x1024xf32, #tpu.memory_space<vmem>> -> memref<1x16x1024xf32, #tpu.memory_space<vmem>>
        %dma_start3A_582 = tpu.memref_squeeze %dma_start3A_581 : memref<1x16x1024xf32, #tpu.memory_space<vmem>> -> memref<16x1024xf32, #tpu.memory_space<vmem>>
        %dma_start3A_583 = arith.constant 0 : i32
        %dma_start3A_584 = tpu.memref_slice %arg4[%add3A_576, %dma_start3A_583] : memref<32768x1024xf32, #tpu.memory_space<hbm>> -> memref<16x1024xf32, #tpu.memory_space<hbm>>
        %dma_start3A_585 = tpu.memref_slice %arg12[%dma_start3A_578] : memref<6x!tpu.dma_semaphore, #tpu.memory_space<semaphore_mem>> -> memref<1x!tpu.dma_semaphore, #tpu.memory_space<semaphore_mem>>
        %dma_start3A_586 = tpu.memref_squeeze %dma_start3A_585 : memref<1x!tpu.dma_semaphore, #tpu.memory_space<semaphore_mem>> -> memref<!tpu.dma_semaphore, #tpu.memory_space<semaphore_mem>>
        %dma_start3A_587 = arith.constant 0 : i32
        %dma_start3A_588 = tpu.memref_slice %arg4[%add3A_576, %dma_start3A_587] : memref<32768x1024xf32, #tpu.memory_space<hbm>> -> memref<16x1024xf32, #tpu.memory_space<hbm>>
        %dma_start3A_589 = arith.constant 0 : i32
        %dma_start3A_590 = arith.constant 0 : i32
        %dma_start3A_591 = tpu.memref_slice %arg10[%dma_start3A_577, %dma_start3A_589, %dma_start3A_590] : memref<6x16x1024xf32, #tpu.memory_space<vmem>> -> memref<1x16x1024xf32, #tpu.memory_space<vmem>>
        %dma_start3A_592 = tpu.memref_squeeze %dma_start3A_591 : memref<1x16x1024xf32, #tpu.memory_space<vmem>> -> memref<16x1024xf32, #tpu.memory_space<vmem>>
        tpu.enqueue_dma source(%dma_start3A_592 : memref<16x1024xf32, #tpu.memory_space<vmem>>) target(%dma_start3A_588 : memref<16x1024xf32, #tpu.memory_space<hbm>>) target_semaphore(%dma_start3A_586 : memref<!tpu.dma_semaphore, #tpu.memory_space<semaphore_mem>>)
      } else {
      }
      %mul3A_511 = arith.constant 6 : i32
      %mul3A_512 = arith.muli %scan3A_447, %mul3A_511 : i32
      %add3A_513 = arith.constant 4 : i32
      %add3A_514 = arith.addi %mul3A_512, %add3A_513 : i32
      %add3A_515 = arith.constant 3 : i32
      %add3A_516 = arith.addi %add3A_514, %add3A_515 : i32
      %lt3A_517 = arith.constant 64 : i32
      %lt3A_518 = arith.cmpi slt, %add3A_516, %lt3A_517 : i32
      %convert_element_type3A_519 = arith.extui %lt3A_518 : i1 to i32
      %cond3A_520 = arith.constant 0 : i32
      %cond3A_521 = arith.cmpi ne, %convert_element_type3A_519, %cond3A_520 : i32
      scf.if %cond3A_521 {
        %add3A_544 = arith.constant 3 : i32
        %add3A_545 = arith.addi %add3A_514, %add3A_544 : i32
        %jit3A_546 = arith.constant 6 : i32
        %eq3A_547 = arith.constant 0 : i32
        %eq3A_548 = arith.cmpi eq, %jit3A_546, %eq3A_547 : i32
        %jit3A_549 = arith.constant 1 : i32
        %select_n3A_550 = arith.select %eq3A_548, %jit3A_549, %jit3A_546 : i32
        %rem3A_551 = arith.remsi %add3A_545, %select_n3A_550 : i32
        %ne3A_552 = arith.constant 0 : i32
        %ne3A_553 = arith.cmpi ne, %rem3A_551, %ne3A_552 : i32
        %lt3A_554 = arith.constant 0 : i32
        %lt3A_555 = arith.cmpi slt, %rem3A_551, %lt3A_554 : i32
        %lt3A_556 = arith.constant 0 : i32
        %lt3A_557 = arith.cmpi slt, %select_n3A_550, %lt3A_556 : i32
        %ne3A_558 = arith.xori %lt3A_555, %lt3A_557 : i1
        %and3A_559 = arith.andi %ne3A_558, %ne3A_553 : i1
        %add3A_560 = arith.addi %rem3A_551, %select_n3A_550 : i32
        %select_n3A_561 = arith.select %and3A_559, %add3A_560, %rem3A_551 : i32
        %add3A_562 = arith.constant 3 : i32
        %add3A_563 = arith.addi %add3A_514, %add3A_562 : i32
        %ge3A = arith.constant 6 : i32
        %ge3A_564 = arith.cmpi sge, %add3A_563, %ge3A : i32
        %convert_element_type3A_565 = arith.extui %ge3A_564 : i1 to i32
        %cond3A_566 = arith.constant 0 : i32
        %cond3A_567 = arith.cmpi ne, %convert_element_type3A_565, %cond3A_566 : i32
        scf.if %cond3A_567 {
          %add3A_599 = arith.constant 3 : i32
          %add3A_600 = arith.addi %add3A_514, %add3A_599 : i32
          %sub3A_601 = arith.constant 6 : i32
          %sub3A_602 = arith.subi %add3A_600, %sub3A_601 : i32
          %add3A_603 = arith.addi %sub3A_602, %mul3A_123 : i32
          %jit3A_604 = arith.constant 64 : i32
          %eq3A_605 = arith.constant 0 : i32
          %eq3A_606 = arith.cmpi eq, %jit3A_604, %eq3A_605 : i32
          %jit3A_607 = arith.constant 1 : i32
          %select_n3A_608 = arith.select %eq3A_606, %jit3A_607, %jit3A_604 : i32
          %rem3A_609 = arith.remsi %add3A_603, %select_n3A_608 : i32
          %ne3A_610 = arith.constant 0 : i32
          %ne3A_611 = arith.cmpi ne, %rem3A_609, %ne3A_610 : i32
          %lt3A_612 = arith.constant 0 : i32
          %lt3A_613 = arith.cmpi slt, %rem3A_609, %lt3A_612 : i32
          %lt3A_614 = arith.constant 0 : i32
          %lt3A_615 = arith.cmpi slt, %select_n3A_608, %lt3A_614 : i32
          %ne3A_616 = arith.xori %lt3A_613, %lt3A_615 : i1
          %and3A_617 = arith.andi %ne3A_616, %ne3A_611 : i1
          %add3A_618 = arith.addi %rem3A_609, %select_n3A_608 : i32
          %select_n3A_619 = arith.select %and3A_617, %add3A_618, %rem3A_609 : i32
          %mul3A_620 = arith.constant 16 : i32
          %mul3A_621 = arith.muli %select_n3A_619, %mul3A_620 : i32
          %add3A_622 = arith.addi %add3A_35, %mul3A_621 : i32
          %dma_wait3A_623 = arith.constant 0 : i32
          %dma_wait3A_624 = arith.constant 0 : i32
          %dma_wait3A_625 = tpu.memref_slice %arg10[%select_n3A_561, %dma_wait3A_623, %dma_wait3A_624] : memref<6x16x1024xf32, #tpu.memory_space<vmem>> -> memref<1x16x1024xf32, #tpu.memory_space<vmem>>
          %dma_wait3A_626 = tpu.memref_squeeze %dma_wait3A_625 : memref<1x16x1024xf32, #tpu.memory_space<vmem>> -> memref<16x1024xf32, #tpu.memory_space<vmem>>
          %dma_wait3A_627 = arith.constant 0 : i32
          %dma_wait3A_628 = tpu.memref_slice %arg4[%add3A_622, %dma_wait3A_627] : memref<32768x1024xf32, #tpu.memory_space<hbm>> -> memref<16x1024xf32, #tpu.memory_space<hbm>>
          %dma_wait3A_629 = tpu.memref_slice %arg12[%select_n3A_561] : memref<6x!tpu.dma_semaphore, #tpu.memory_space<semaphore_mem>> -> memref<1x!tpu.dma_semaphore, #tpu.memory_space<semaphore_mem>>
          %dma_wait3A_630 = tpu.memref_squeeze %dma_wait3A_629 : memref<1x!tpu.dma_semaphore, #tpu.memory_space<semaphore_mem>> -> memref<!tpu.dma_semaphore, #tpu.memory_space<semaphore_mem>>
          %dma_wait3A_631 = arith.constant 0 : i32
          %dma_wait3A_632 = tpu.memref_slice %arg4[%add3A_622, %dma_wait3A_631] : memref<32768x1024xf32, #tpu.memory_space<hbm>> -> memref<16x1024xf32, #tpu.memory_space<hbm>>
          %dma_wait3A_633 = arith.constant 0 : i32
          %dma_wait3A_634 = arith.constant 0 : i32
          %dma_wait3A_635 = tpu.memref_slice %arg10[%select_n3A_561, %dma_wait3A_633, %dma_wait3A_634] : memref<6x16x1024xf32, #tpu.memory_space<vmem>> -> memref<1x16x1024xf32, #tpu.memory_space<vmem>>
          %dma_wait3A_636 = tpu.memref_squeeze %dma_wait3A_635 : memref<1x16x1024xf32, #tpu.memory_space<vmem>> -> memref<16x1024xf32, #tpu.memory_space<vmem>>
          tpu.wait_dma2 semaphore(%dma_wait3A_630 : memref<!tpu.dma_semaphore, #tpu.memory_space<semaphore_mem>>) src(%dma_wait3A_636 : memref<16x1024xf32, #tpu.memory_space<vmem>>) dst(%dma_wait3A_632 : memref<16x1024xf32, #tpu.memory_space<hbm>>)
        } else {
        }
        %add3A_568 = arith.constant 3 : i32
        %add3A_569 = arith.addi %add3A_514, %add3A_568 : i32
        %add3A_570 = arith.addi %add3A_569, %mul3A_123 : i32
        %jit3A_571 = arith.constant 64 : i32
        %eq3A_572 = arith.constant 0 : i32
        %eq3A_573 = arith.cmpi eq, %jit3A_571, %eq3A_572 : i32
        %jit3A_574 = arith.constant 1 : i32
        %select_n3A_575 = arith.select %eq3A_573, %jit3A_574, %jit3A_571 : i32
        %rem3A_576 = arith.remsi %add3A_570, %select_n3A_575 : i32
        %ne3A_577 = arith.constant 0 : i32
        %ne3A_578 = arith.cmpi ne, %rem3A_576, %ne3A_577 : i32
        %lt3A_579 = arith.constant 0 : i32
        %lt3A_580 = arith.cmpi slt, %rem3A_576, %lt3A_579 : i32
        %lt3A_581 = arith.constant 0 : i32
        %lt3A_582 = arith.cmpi slt, %select_n3A_575, %lt3A_581 : i32
        %ne3A_583 = arith.xori %lt3A_580, %lt3A_582 : i1
        %and3A_584 = arith.andi %ne3A_583, %ne3A_578 : i1
        %add3A_585 = arith.addi %rem3A_576, %select_n3A_575 : i32
        %select_n3A_586 = arith.select %and3A_584, %add3A_585, %rem3A_576 : i32
        %mul3A_587 = arith.constant 16 : i32
        %mul3A_588 = arith.muli %select_n3A_586, %mul3A_587 : i32
        %dma_start3A_589 = arith.constant 0 : i32
        %dma_start3A_590 = arith.constant 0 : i32
        %dma_start3A_591 = tpu.memref_slice %arg10[%select_n3A_561, %dma_start3A_589, %dma_start3A_590] : memref<6x16x1024xf32, #tpu.memory_space<vmem>> -> memref<1x16x1024xf32, #tpu.memory_space<vmem>>
        %dma_start3A_592 = tpu.memref_squeeze %dma_start3A_591 : memref<1x16x1024xf32, #tpu.memory_space<vmem>> -> memref<16x1024xf32, #tpu.memory_space<vmem>>
        %dma_start3A_593 = tpu.memref_slice %arg6[%mul3A_588] : memref<1024xi32, #tpu.memory_space<vmem>> -> memref<16xi32, #tpu.memory_space<vmem>>
        %dma_start3A_594 = arith.constant 0 : i32
        %dma_start3A_595 = arith.constant 0 : i32
        %dma_start3A_596 = tpu.memref_slice %arg3[%dma_start3A_594, %dma_start3A_595] : memref<16384x1024xf32, #tpu.memory_space<hbm>> -> memref<16384x1024xf32, #tpu.memory_space<hbm>>
        %dma_start3A_597 = tpu.memref_slice %arg11[%select_n3A_561] : memref<6x!tpu.dma_semaphore, #tpu.memory_space<semaphore_mem>> -> memref<1x!tpu.dma_semaphore, #tpu.memory_space<semaphore_mem>>
        %dma_start3A_598 = tpu.memref_squeeze %dma_start3A_597 : memref<1x!tpu.dma_semaphore, #tpu.memory_space<semaphore_mem>> -> memref<!tpu.dma_semaphore, #tpu.memory_space<semaphore_mem>>
        tpu.enqueue_indirect_dma source(%dma_start3A_596 : memref<16384x1024xf32, #tpu.memory_space<hbm>>) target(%dma_start3A_592 : memref<16x1024xf32, #tpu.memory_space<vmem>>) offsets(%dma_start3A_593 : memref<16xi32, #tpu.memory_space<vmem>>) semaphore(%dma_start3A_598 : memref<!tpu.dma_semaphore, #tpu.memory_space<semaphore_mem>>)
      } else {
      }
      %lt3A_522 = arith.constant 64 : i32
      %lt3A_523 = arith.cmpi slt, %add3A_514, %lt3A_522 : i32
      %convert_element_type3A_524 = arith.extui %lt3A_523 : i1 to i32
      %cond3A_525 = arith.constant 0 : i32
      %cond3A_526 = arith.cmpi ne, %convert_element_type3A_524, %cond3A_525 : i32
      scf.if %cond3A_526 {
        %dma_wait3A_544 = arith.constant 4 : i32
        %dma_wait3A_545 = arith.constant 4 : i32
        %dma_wait3A_546 = arith.constant 0 : i32
        %dma_wait3A_547 = arith.constant 0 : i32
        %dma_wait3A_548 = tpu.memref_slice %arg10[%dma_wait3A_544, %dma_wait3A_546, %dma_wait3A_547] : memref<6x16x1024xf32, #tpu.memory_space<vmem>> -> memref<1x16x1024xf32, #tpu.memory_space<vmem>>
        %dma_wait3A_549 = tpu.memref_squeeze %dma_wait3A_548 : memref<1x16x1024xf32, #tpu.memory_space<vmem>> -> memref<16x1024xf32, #tpu.memory_space<vmem>>
        %dma_wait3A_550 = arith.constant 0 : i32
        %dma_wait3A_551 = tpu.memref_slice %arg6[%dma_wait3A_550] : memref<1024xi32, #tpu.memory_space<vmem>> -> memref<16xi32, #tpu.memory_space<vmem>>
        %dma_wait3A_552 = arith.constant 0 : i32
        %dma_wait3A_553 = arith.constant 0 : i32
        %dma_wait3A_554 = tpu.memref_slice %arg3[%dma_wait3A_552, %dma_wait3A_553] : memref<16384x1024xf32, #tpu.memory_space<hbm>> -> memref<16384x1024xf32, #tpu.memory_space<hbm>>
        %dma_wait3A_555 = tpu.memref_slice %arg11[%dma_wait3A_545] : memref<6x!tpu.dma_semaphore, #tpu.memory_space<semaphore_mem>> -> memref<1x!tpu.dma_semaphore, #tpu.memory_space<semaphore_mem>>
        %dma_wait3A_556 = tpu.memref_squeeze %dma_wait3A_555 : memref<1x!tpu.dma_semaphore, #tpu.memory_space<semaphore_mem>> -> memref<!tpu.dma_semaphore, #tpu.memory_space<semaphore_mem>>
        tpu.wait_indirect_dma semaphore(%dma_wait3A_556 : memref<!tpu.dma_semaphore, #tpu.memory_space<semaphore_mem>>) src(%dma_wait3A_554 : memref<16384x1024xf32, #tpu.memory_space<hbm>>) dst(%dma_wait3A_549 : memref<16x1024xf32, #tpu.memory_space<vmem>>)
        %add3A_557 = arith.addi %add3A_514, %mul3A_123 : i32
        %jit3A_558 = arith.constant 64 : i32
        %eq3A_559 = arith.constant 0 : i32
        %eq3A_560 = arith.cmpi eq, %jit3A_558, %eq3A_559 : i32
        %jit3A_561 = arith.constant 1 : i32
        %select_n3A_562 = arith.select %eq3A_560, %jit3A_561, %jit3A_558 : i32
        %rem3A_563 = arith.remsi %add3A_557, %select_n3A_562 : i32
        %ne3A_564 = arith.constant 0 : i32
        %ne3A_565 = arith.cmpi ne, %rem3A_563, %ne3A_564 : i32
        %lt3A_566 = arith.constant 0 : i32
        %lt3A_567 = arith.cmpi slt, %rem3A_563, %lt3A_566 : i32
        %lt3A_568 = arith.constant 0 : i32
        %lt3A_569 = arith.cmpi slt, %select_n3A_562, %lt3A_568 : i32
        %ne3A_570 = arith.xori %lt3A_567, %lt3A_569 : i1
        %and3A_571 = arith.andi %ne3A_570, %ne3A_565 : i1
        %add3A_572 = arith.addi %rem3A_563, %select_n3A_562 : i32
        %select_n3A_573 = arith.select %and3A_571, %add3A_572, %rem3A_563 : i32
        %mul3A_574 = arith.constant 16 : i32
        %mul3A_575 = arith.muli %select_n3A_573, %mul3A_574 : i32
        %add3A_576 = arith.addi %add3A_35, %mul3A_575 : i32
        %dma_start3A_577 = arith.constant 4 : i32
        %dma_start3A_578 = arith.constant 4 : i32
        %dma_start3A_579 = arith.constant 0 : i32
        %dma_start3A_580 = arith.constant 0 : i32
        %dma_start3A_581 = tpu.memref_slice %arg10[%dma_start3A_577, %dma_start3A_579, %dma_start3A_580] : memref<6x16x1024xf32, #tpu.memory_space<vmem>> -> memref<1x16x1024xf32, #tpu.memory_space<vmem>>
        %dma_start3A_582 = tpu.memref_squeeze %dma_start3A_581 : memref<1x16x1024xf32, #tpu.memory_space<vmem>> -> memref<16x1024xf32, #tpu.memory_space<vmem>>
        %dma_start3A_583 = arith.constant 0 : i32
        %dma_start3A_584 = tpu.memref_slice %arg4[%add3A_576, %dma_start3A_583] : memref<32768x1024xf32, #tpu.memory_space<hbm>> -> memref<16x1024xf32, #tpu.memory_space<hbm>>
        %dma_start3A_585 = tpu.memref_slice %arg12[%dma_start3A_578] : memref<6x!tpu.dma_semaphore, #tpu.memory_space<semaphore_mem>> -> memref<1x!tpu.dma_semaphore, #tpu.memory_space<semaphore_mem>>
        %dma_start3A_586 = tpu.memref_squeeze %dma_start3A_585 : memref<1x!tpu.dma_semaphore, #tpu.memory_space<semaphore_mem>> -> memref<!tpu.dma_semaphore, #tpu.memory_space<semaphore_mem>>
        %dma_start3A_587 = arith.constant 0 : i32
        %dma_start3A_588 = tpu.memref_slice %arg4[%add3A_576, %dma_start3A_587] : memref<32768x1024xf32, #tpu.memory_space<hbm>> -> memref<16x1024xf32, #tpu.memory_space<hbm>>
        %dma_start3A_589 = arith.constant 0 : i32
        %dma_start3A_590 = arith.constant 0 : i32
        %dma_start3A_591 = tpu.memref_slice %arg10[%dma_start3A_577, %dma_start3A_589, %dma_start3A_590] : memref<6x16x1024xf32, #tpu.memory_space<vmem>> -> memref<1x16x1024xf32, #tpu.memory_space<vmem>>
        %dma_start3A_592 = tpu.memref_squeeze %dma_start3A_591 : memref<1x16x1024xf32, #tpu.memory_space<vmem>> -> memref<16x1024xf32, #tpu.memory_space<vmem>>
        tpu.enqueue_dma source(%dma_start3A_592 : memref<16x1024xf32, #tpu.memory_space<vmem>>) target(%dma_start3A_588 : memref<16x1024xf32, #tpu.memory_space<hbm>>) target_semaphore(%dma_start3A_586 : memref<!tpu.dma_semaphore, #tpu.memory_space<semaphore_mem>>)
      } else {
      }
      %mul3A_527 = arith.constant 6 : i32
      %mul3A_528 = arith.muli %scan3A_447, %mul3A_527 : i32
      %add3A_529 = arith.constant 5 : i32
      %add3A_530 = arith.addi %mul3A_528, %add3A_529 : i32
      %add3A_531 = arith.constant 3 : i32
      %add3A_532 = arith.addi %add3A_530, %add3A_531 : i32
      %lt3A_533 = arith.constant 64 : i32
      %lt3A_534 = arith.cmpi slt, %add3A_532, %lt3A_533 : i32
      %convert_element_type3A_535 = arith.extui %lt3A_534 : i1 to i32
      %cond3A_536 = arith.constant 0 : i32
      %cond3A_537 = arith.cmpi ne, %convert_element_type3A_535, %cond3A_536 : i32
      scf.if %cond3A_537 {
        %add3A_544 = arith.constant 3 : i32
        %add3A_545 = arith.addi %add3A_530, %add3A_544 : i32
        %jit3A_546 = arith.constant 6 : i32
        %eq3A_547 = arith.constant 0 : i32
        %eq3A_548 = arith.cmpi eq, %jit3A_546, %eq3A_547 : i32
        %jit3A_549 = arith.constant 1 : i32
        %select_n3A_550 = arith.select %eq3A_548, %jit3A_549, %jit3A_546 : i32
        %rem3A_551 = arith.remsi %add3A_545, %select_n3A_550 : i32
        %ne3A_552 = arith.constant 0 : i32
        %ne3A_553 = arith.cmpi ne, %rem3A_551, %ne3A_552 : i32
        %lt3A_554 = arith.constant 0 : i32
        %lt3A_555 = arith.cmpi slt, %rem3A_551, %lt3A_554 : i32
        %lt3A_556 = arith.constant 0 : i32
        %lt3A_557 = arith.cmpi slt, %select_n3A_550, %lt3A_556 : i32
        %ne3A_558 = arith.xori %lt3A_555, %lt3A_557 : i1
        %and3A_559 = arith.andi %ne3A_558, %ne3A_553 : i1
        %add3A_560 = arith.addi %rem3A_551, %select_n3A_550 : i32
        %select_n3A_561 = arith.select %and3A_559, %add3A_560, %rem3A_551 : i32
        %add3A_562 = arith.constant 3 : i32
        %add3A_563 = arith.addi %add3A_530, %add3A_562 : i32
        %ge3A = arith.constant 6 : i32
        %ge3A_564 = arith.cmpi sge, %add3A_563, %ge3A : i32
        %convert_element_type3A_565 = arith.extui %ge3A_564 : i1 to i32
        %cond3A_566 = arith.constant 0 : i32
        %cond3A_567 = arith.cmpi ne, %convert_element_type3A_565, %cond3A_566 : i32
        scf.if %cond3A_567 {
          %add3A_599 = arith.constant 3 : i32
          %add3A_600 = arith.addi %add3A_530, %add3A_599 : i32
          %sub3A_601 = arith.constant 6 : i32
          %sub3A_602 = arith.subi %add3A_600, %sub3A_601 : i32
          %add3A_603 = arith.addi %sub3A_602, %mul3A_123 : i32
          %jit3A_604 = arith.constant 64 : i32
          %eq3A_605 = arith.constant 0 : i32
          %eq3A_606 = arith.cmpi eq, %jit3A_604, %eq3A_605 : i32
          %jit3A_607 = arith.constant 1 : i32
          %select_n3A_608 = arith.select %eq3A_606, %jit3A_607, %jit3A_604 : i32
          %rem3A_609 = arith.remsi %add3A_603, %select_n3A_608 : i32
          %ne3A_610 = arith.constant 0 : i32
          %ne3A_611 = arith.cmpi ne, %rem3A_609, %ne3A_610 : i32
          %lt3A_612 = arith.constant 0 : i32
          %lt3A_613 = arith.cmpi slt, %rem3A_609, %lt3A_612 : i32
          %lt3A_614 = arith.constant 0 : i32
          %lt3A_615 = arith.cmpi slt, %select_n3A_608, %lt3A_614 : i32
          %ne3A_616 = arith.xori %lt3A_613, %lt3A_615 : i1
          %and3A_617 = arith.andi %ne3A_616, %ne3A_611 : i1
          %add3A_618 = arith.addi %rem3A_609, %select_n3A_608 : i32
          %select_n3A_619 = arith.select %and3A_617, %add3A_618, %rem3A_609 : i32
          %mul3A_620 = arith.constant 16 : i32
          %mul3A_621 = arith.muli %select_n3A_619, %mul3A_620 : i32
          %add3A_622 = arith.addi %add3A_35, %mul3A_621 : i32
          %dma_wait3A_623 = arith.constant 0 : i32
          %dma_wait3A_624 = arith.constant 0 : i32
          %dma_wait3A_625 = tpu.memref_slice %arg10[%select_n3A_561, %dma_wait3A_623, %dma_wait3A_624] : memref<6x16x1024xf32, #tpu.memory_space<vmem>> -> memref<1x16x1024xf32, #tpu.memory_space<vmem>>
          %dma_wait3A_626 = tpu.memref_squeeze %dma_wait3A_625 : memref<1x16x1024xf32, #tpu.memory_space<vmem>> -> memref<16x1024xf32, #tpu.memory_space<vmem>>
          %dma_wait3A_627 = arith.constant 0 : i32
          %dma_wait3A_628 = tpu.memref_slice %arg4[%add3A_622, %dma_wait3A_627] : memref<32768x1024xf32, #tpu.memory_space<hbm>> -> memref<16x1024xf32, #tpu.memory_space<hbm>>
          %dma_wait3A_629 = tpu.memref_slice %arg12[%select_n3A_561] : memref<6x!tpu.dma_semaphore, #tpu.memory_space<semaphore_mem>> -> memref<1x!tpu.dma_semaphore, #tpu.memory_space<semaphore_mem>>
          %dma_wait3A_630 = tpu.memref_squeeze %dma_wait3A_629 : memref<1x!tpu.dma_semaphore, #tpu.memory_space<semaphore_mem>> -> memref<!tpu.dma_semaphore, #tpu.memory_space<semaphore_mem>>
          %dma_wait3A_631 = arith.constant 0 : i32
          %dma_wait3A_632 = tpu.memref_slice %arg4[%add3A_622, %dma_wait3A_631] : memref<32768x1024xf32, #tpu.memory_space<hbm>> -> memref<16x1024xf32, #tpu.memory_space<hbm>>
          %dma_wait3A_633 = arith.constant 0 : i32
          %dma_wait3A_634 = arith.constant 0 : i32
          %dma_wait3A_635 = tpu.memref_slice %arg10[%select_n3A_561, %dma_wait3A_633, %dma_wait3A_634] : memref<6x16x1024xf32, #tpu.memory_space<vmem>> -> memref<1x16x1024xf32, #tpu.memory_space<vmem>>
          %dma_wait3A_636 = tpu.memref_squeeze %dma_wait3A_635 : memref<1x16x1024xf32, #tpu.memory_space<vmem>> -> memref<16x1024xf32, #tpu.memory_space<vmem>>
          tpu.wait_dma2 semaphore(%dma_wait3A_630 : memref<!tpu.dma_semaphore, #tpu.memory_space<semaphore_mem>>) src(%dma_wait3A_636 : memref<16x1024xf32, #tpu.memory_space<vmem>>) dst(%dma_wait3A_632 : memref<16x1024xf32, #tpu.memory_space<hbm>>)
        } else {
        }
        %add3A_568 = arith.constant 3 : i32
        %add3A_569 = arith.addi %add3A_530, %add3A_568 : i32
        %add3A_570 = arith.addi %add3A_569, %mul3A_123 : i32
        %jit3A_571 = arith.constant 64 : i32
        %eq3A_572 = arith.constant 0 : i32
        %eq3A_573 = arith.cmpi eq, %jit3A_571, %eq3A_572 : i32
        %jit3A_574 = arith.constant 1 : i32
        %select_n3A_575 = arith.select %eq3A_573, %jit3A_574, %jit3A_571 : i32
        %rem3A_576 = arith.remsi %add3A_570, %select_n3A_575 : i32
        %ne3A_577 = arith.constant 0 : i32
        %ne3A_578 = arith.cmpi ne, %rem3A_576, %ne3A_577 : i32
        %lt3A_579 = arith.constant 0 : i32
        %lt3A_580 = arith.cmpi slt, %rem3A_576, %lt3A_579 : i32
        %lt3A_581 = arith.constant 0 : i32
        %lt3A_582 = arith.cmpi slt, %select_n3A_575, %lt3A_581 : i32
        %ne3A_583 = arith.xori %lt3A_580, %lt3A_582 : i1
        %and3A_584 = arith.andi %ne3A_583, %ne3A_578 : i1
        %add3A_585 = arith.addi %rem3A_576, %select_n3A_575 : i32
        %select_n3A_586 = arith.select %and3A_584, %add3A_585, %rem3A_576 : i32
        %mul3A_587 = arith.constant 16 : i32
        %mul3A_588 = arith.muli %select_n3A_586, %mul3A_587 : i32
        %dma_start3A_589 = arith.constant 0 : i32
        %dma_start3A_590 = arith.constant 0 : i32
        %dma_start3A_591 = tpu.memref_slice %arg10[%select_n3A_561, %dma_start3A_589, %dma_start3A_590] : memref<6x16x1024xf32, #tpu.memory_space<vmem>> -> memref<1x16x1024xf32, #tpu.memory_space<vmem>>
        %dma_start3A_592 = tpu.memref_squeeze %dma_start3A_591 : memref<1x16x1024xf32, #tpu.memory_space<vmem>> -> memref<16x1024xf32, #tpu.memory_space<vmem>>
        %dma_start3A_593 = tpu.memref_slice %arg6[%mul3A_588] : memref<1024xi32, #tpu.memory_space<vmem>> -> memref<16xi32, #tpu.memory_space<vmem>>
        %dma_start3A_594 = arith.constant 0 : i32
        %dma_start3A_595 = arith.constant 0 : i32
        %dma_start3A_596 = tpu.memref_slice %arg3[%dma_start3A_594, %dma_start3A_595] : memref<16384x1024xf32, #tpu.memory_space<hbm>> -> memref<16384x1024xf32, #tpu.memory_space<hbm>>
        %dma_start3A_597 = tpu.memref_slice %arg11[%select_n3A_561] : memref<6x!tpu.dma_semaphore, #tpu.memory_space<semaphore_mem>> -> memref<1x!tpu.dma_semaphore, #tpu.memory_space<semaphore_mem>>
        %dma_start3A_598 = tpu.memref_squeeze %dma_start3A_597 : memref<1x!tpu.dma_semaphore, #tpu.memory_space<semaphore_mem>> -> memref<!tpu.dma_semaphore, #tpu.memory_space<semaphore_mem>>
        tpu.enqueue_indirect_dma source(%dma_start3A_596 : memref<16384x1024xf32, #tpu.memory_space<hbm>>) target(%dma_start3A_592 : memref<16x1024xf32, #tpu.memory_space<vmem>>) offsets(%dma_start3A_593 : memref<16xi32, #tpu.memory_space<vmem>>) semaphore(%dma_start3A_598 : memref<!tpu.dma_semaphore, #tpu.memory_space<semaphore_mem>>)
      } else {
      }
      %lt3A_538 = arith.constant 64 : i32
      %lt3A_539 = arith.cmpi slt, %add3A_530, %lt3A_538 : i32
      %convert_element_type3A_540 = arith.extui %lt3A_539 : i1 to i32
      %cond3A_541 = arith.constant 0 : i32
      %cond3A_542 = arith.cmpi ne, %convert_element_type3A_540, %cond3A_541 : i32
      scf.if %cond3A_542 {
        %dma_wait3A_544 = arith.constant 5 : i32
        %dma_wait3A_545 = arith.constant 5 : i32
        %dma_wait3A_546 = arith.constant 0 : i32
        %dma_wait3A_547 = arith.constant 0 : i32
        %dma_wait3A_548 = tpu.memref_slice %arg10[%dma_wait3A_544, %dma_wait3A_546, %dma_wait3A_547] : memref<6x16x1024xf32, #tpu.memory_space<vmem>> -> memref<1x16x1024xf32, #tpu.memory_space<vmem>>
        %dma_wait3A_549 = tpu.memref_squeeze %dma_wait3A_548 : memref<1x16x1024xf32, #tpu.memory_space<vmem>> -> memref<16x1024xf32, #tpu.memory_space<vmem>>
        %dma_wait3A_550 = arith.constant 0 : i32
        %dma_wait3A_551 = tpu.memref_slice %arg6[%dma_wait3A_550] : memref<1024xi32, #tpu.memory_space<vmem>> -> memref<16xi32, #tpu.memory_space<vmem>>
        %dma_wait3A_552 = arith.constant 0 : i32
        %dma_wait3A_553 = arith.constant 0 : i32
        %dma_wait3A_554 = tpu.memref_slice %arg3[%dma_wait3A_552, %dma_wait3A_553] : memref<16384x1024xf32, #tpu.memory_space<hbm>> -> memref<16384x1024xf32, #tpu.memory_space<hbm>>
        %dma_wait3A_555 = tpu.memref_slice %arg11[%dma_wait3A_545] : memref<6x!tpu.dma_semaphore, #tpu.memory_space<semaphore_mem>> -> memref<1x!tpu.dma_semaphore, #tpu.memory_space<semaphore_mem>>
        %dma_wait3A_556 = tpu.memref_squeeze %dma_wait3A_555 : memref<1x!tpu.dma_semaphore, #tpu.memory_space<semaphore_mem>> -> memref<!tpu.dma_semaphore, #tpu.memory_space<semaphore_mem>>
        tpu.wait_indirect_dma semaphore(%dma_wait3A_556 : memref<!tpu.dma_semaphore, #tpu.memory_space<semaphore_mem>>) src(%dma_wait3A_554 : memref<16384x1024xf32, #tpu.memory_space<hbm>>) dst(%dma_wait3A_549 : memref<16x1024xf32, #tpu.memory_space<vmem>>)
        %add3A_557 = arith.addi %add3A_530, %mul3A_123 : i32
        %jit3A_558 = arith.constant 64 : i32
        %eq3A_559 = arith.constant 0 : i32
        %eq3A_560 = arith.cmpi eq, %jit3A_558, %eq3A_559 : i32
        %jit3A_561 = arith.constant 1 : i32
        %select_n3A_562 = arith.select %eq3A_560, %jit3A_561, %jit3A_558 : i32
        %rem3A_563 = arith.remsi %add3A_557, %select_n3A_562 : i32
        %ne3A_564 = arith.constant 0 : i32
        %ne3A_565 = arith.cmpi ne, %rem3A_563, %ne3A_564 : i32
        %lt3A_566 = arith.constant 0 : i32
        %lt3A_567 = arith.cmpi slt, %rem3A_563, %lt3A_566 : i32
        %lt3A_568 = arith.constant 0 : i32
        %lt3A_569 = arith.cmpi slt, %select_n3A_562, %lt3A_568 : i32
        %ne3A_570 = arith.xori %lt3A_567, %lt3A_569 : i1
        %and3A_571 = arith.andi %ne3A_570, %ne3A_565 : i1
        %add3A_572 = arith.addi %rem3A_563, %select_n3A_562 : i32
        %select_n3A_573 = arith.select %and3A_571, %add3A_572, %rem3A_563 : i32
        %mul3A_574 = arith.constant 16 : i32
        %mul3A_575 = arith.muli %select_n3A_573, %mul3A_574 : i32
        %add3A_576 = arith.addi %add3A_35, %mul3A_575 : i32
        %dma_start3A_577 = arith.constant 5 : i32
        %dma_start3A_578 = arith.constant 5 : i32
        %dma_start3A_579 = arith.constant 0 : i32
        %dma_start3A_580 = arith.constant 0 : i32
        %dma_start3A_581 = tpu.memref_slice %arg10[%dma_start3A_577, %dma_start3A_579, %dma_start3A_580] : memref<6x16x1024xf32, #tpu.memory_space<vmem>> -> memref<1x16x1024xf32, #tpu.memory_space<vmem>>
        %dma_start3A_582 = tpu.memref_squeeze %dma_start3A_581 : memref<1x16x1024xf32, #tpu.memory_space<vmem>> -> memref<16x1024xf32, #tpu.memory_space<vmem>>
        %dma_start3A_583 = arith.constant 0 : i32
        %dma_start3A_584 = tpu.memref_slice %arg4[%add3A_576, %dma_start3A_583] : memref<32768x1024xf32, #tpu.memory_space<hbm>> -> memref<16x1024xf32, #tpu.memory_space<hbm>>
        %dma_start3A_585 = tpu.memref_slice %arg12[%dma_start3A_578] : memref<6x!tpu.dma_semaphore, #tpu.memory_space<semaphore_mem>> -> memref<1x!tpu.dma_semaphore, #tpu.memory_space<semaphore_mem>>
        %dma_start3A_586 = tpu.memref_squeeze %dma_start3A_585 : memref<1x!tpu.dma_semaphore, #tpu.memory_space<semaphore_mem>> -> memref<!tpu.dma_semaphore, #tpu.memory_space<semaphore_mem>>
        %dma_start3A_587 = arith.constant 0 : i32
        %dma_start3A_588 = tpu.memref_slice %arg4[%add3A_576, %dma_start3A_587] : memref<32768x1024xf32, #tpu.memory_space<hbm>> -> memref<16x1024xf32, #tpu.memory_space<hbm>>
        %dma_start3A_589 = arith.constant 0 : i32
        %dma_start3A_590 = arith.constant 0 : i32
        %dma_start3A_591 = tpu.memref_slice %arg10[%dma_start3A_577, %dma_start3A_589, %dma_start3A_590] : memref<6x16x1024xf32, #tpu.memory_space<vmem>> -> memref<1x16x1024xf32, #tpu.memory_space<vmem>>
        %dma_start3A_592 = tpu.memref_squeeze %dma_start3A_591 : memref<1x16x1024xf32, #tpu.memory_space<vmem>> -> memref<16x1024xf32, #tpu.memory_space<vmem>>
        tpu.enqueue_dma source(%dma_start3A_592 : memref<16x1024xf32, #tpu.memory_space<vmem>>) target(%dma_start3A_588 : memref<16x1024xf32, #tpu.memory_space<hbm>>) target_semaphore(%dma_start3A_586 : memref<!tpu.dma_semaphore, #tpu.memory_space<semaphore_mem>>)
      } else {
      }
      %scan3A_543 = arith.constant 0 : i32
      scf.yield %scan3A_543 : i32
    }
    %scan3A_225 = arith.constant 11 : i32
    %add3A_226 = arith.constant 58 : i32
    %add3A_227 = arith.addi %add3A_226, %mul3A_123 : i32
    %jit3A_228 = arith.constant 64 : i32
    %eq3A_229 = arith.constant 0 : i32
    %eq3A_230 = arith.cmpi eq, %jit3A_228, %eq3A_229 : i32
    %jit3A_231 = arith.constant 1 : i32
    %select_n3A_232 = arith.select %eq3A_230, %jit3A_231, %jit3A_228 : i32
    %rem3A_233 = arith.remsi %add3A_227, %select_n3A_232 : i32
    %ne3A_234 = arith.constant 0 : i32
    %ne3A_235 = arith.cmpi ne, %rem3A_233, %ne3A_234 : i32
    %lt3A_236 = arith.constant 0 : i32
    %lt3A_237 = arith.cmpi slt, %rem3A_233, %lt3A_236 : i32
    %lt3A_238 = arith.constant 0 : i32
    %lt3A_239 = arith.cmpi slt, %select_n3A_232, %lt3A_238 : i32
    %ne3A_240 = arith.xori %lt3A_237, %lt3A_239 : i1
    %and3A_241 = arith.andi %ne3A_240, %ne3A_235 : i1
    %add3A_242 = arith.addi %rem3A_233, %select_n3A_232 : i32
    %select_n3A_243 = arith.select %and3A_241, %add3A_242, %rem3A_233 : i32
    %mul3A_244 = arith.constant 16 : i32
    %mul3A_245 = arith.muli %select_n3A_243, %mul3A_244 : i32
    %add3A_246 = arith.addi %add3A_35, %mul3A_245 : i32
    %dma_wait3A = arith.constant 4 : i32
    %dma_wait3A_247 = arith.constant 4 : i32
    %dma_wait3A_248 = arith.constant 0 : i32
    %dma_wait3A_249 = arith.constant 0 : i32
    %dma_wait3A_250 = tpu.memref_slice %arg10[%dma_wait3A, %dma_wait3A_248, %dma_wait3A_249] : memref<6x16x1024xf32, #tpu.memory_space<vmem>> -> memref<1x16x1024xf32, #tpu.memory_space<vmem>>
    %dma_wait3A_251 = tpu.memref_squeeze %dma_wait3A_250 : memref<1x16x1024xf32, #tpu.memory_space<vmem>> -> memref<16x1024xf32, #tpu.memory_space<vmem>>
    %dma_wait3A_252 = arith.constant 0 : i32
    %dma_wait3A_253 = tpu.memref_slice %arg4[%add3A_246, %dma_wait3A_252] : memref<32768x1024xf32, #tpu.memory_space<hbm>> -> memref<16x1024xf32, #tpu.memory_space<hbm>>
    %dma_wait3A_254 = tpu.memref_slice %arg12[%dma_wait3A_247] : memref<6x!tpu.dma_semaphore, #tpu.memory_space<semaphore_mem>> -> memref<1x!tpu.dma_semaphore, #tpu.memory_space<semaphore_mem>>
    %dma_wait3A_255 = tpu.memref_squeeze %dma_wait3A_254 : memref<1x!tpu.dma_semaphore, #tpu.memory_space<semaphore_mem>> -> memref<!tpu.dma_semaphore, #tpu.memory_space<semaphore_mem>>
    %dma_wait3A_256 = arith.constant 0 : i32
    %dma_wait3A_257 = tpu.memref_slice %arg4[%add3A_246, %dma_wait3A_256] : memref<32768x1024xf32, #tpu.memory_space<hbm>> -> memref<16x1024xf32, #tpu.memory_space<hbm>>
    %dma_wait3A_258 = arith.constant 0 : i32
    %dma_wait3A_259 = arith.constant 0 : i32
    %dma_wait3A_260 = tpu.memref_slice %arg10[%dma_wait3A, %dma_wait3A_258, %dma_wait3A_259] : memref<6x16x1024xf32, #tpu.memory_space<vmem>> -> memref<1x16x1024xf32, #tpu.memory_space<vmem>>
    %dma_wait3A_261 = tpu.memref_squeeze %dma_wait3A_260 : memref<1x16x1024xf32, #tpu.memory_space<vmem>> -> memref<16x1024xf32, #tpu.memory_space<vmem>>
    tpu.wait_dma2 semaphore(%dma_wait3A_255 : memref<!tpu.dma_semaphore, #tpu.memory_space<semaphore_mem>>) src(%dma_wait3A_261 : memref<16x1024xf32, #tpu.memory_space<vmem>>) dst(%dma_wait3A_257 : memref<16x1024xf32, #tpu.memory_space<hbm>>)
    %add3A_262 = arith.constant 59 : i32
    %add3A_263 = arith.addi %add3A_262, %mul3A_123 : i32
    %jit3A_264 = arith.constant 64 : i32
    %eq3A_265 = arith.constant 0 : i32
    %eq3A_266 = arith.cmpi eq, %jit3A_264, %eq3A_265 : i32
    %jit3A_267 = arith.constant 1 : i32
    %select_n3A_268 = arith.select %eq3A_266, %jit3A_267, %jit3A_264 : i32
    %rem3A_269 = arith.remsi %add3A_263, %select_n3A_268 : i32
    %ne3A_270 = arith.constant 0 : i32
    %ne3A_271 = arith.cmpi ne, %rem3A_269, %ne3A_270 : i32
    %lt3A_272 = arith.constant 0 : i32
    %lt3A_273 = arith.cmpi slt, %rem3A_269, %lt3A_272 : i32
    %lt3A_274 = arith.constant 0 : i32
    %lt3A_275 = arith.cmpi slt, %select_n3A_268, %lt3A_274 : i32
    %ne3A_276 = arith.xori %lt3A_273, %lt3A_275 : i1
    %and3A_277 = arith.andi %ne3A_276, %ne3A_271 : i1
    %add3A_278 = arith.addi %rem3A_269, %select_n3A_268 : i32
    %select_n3A_279 = arith.select %and3A_277, %add3A_278, %rem3A_269 : i32
    %mul3A_280 = arith.constant 16 : i32
    %mul3A_281 = arith.muli %select_n3A_279, %mul3A_280 : i32
    %add3A_282 = arith.addi %add3A_35, %mul3A_281 : i32
    %dma_wait3A_283 = arith.constant 5 : i32
    %dma_wait3A_284 = arith.constant 5 : i32
    %dma_wait3A_285 = arith.constant 0 : i32
    %dma_wait3A_286 = arith.constant 0 : i32
    %dma_wait3A_287 = tpu.memref_slice %arg10[%dma_wait3A_283, %dma_wait3A_285, %dma_wait3A_286] : memref<6x16x1024xf32, #tpu.memory_space<vmem>> -> memref<1x16x1024xf32, #tpu.memory_space<vmem>>
    %dma_wait3A_288 = tpu.memref_squeeze %dma_wait3A_287 : memref<1x16x1024xf32, #tpu.memory_space<vmem>> -> memref<16x1024xf32, #tpu.memory_space<vmem>>
    %dma_wait3A_289 = arith.constant 0 : i32
    %dma_wait3A_290 = tpu.memref_slice %arg4[%add3A_282, %dma_wait3A_289] : memref<32768x1024xf32, #tpu.memory_space<hbm>> -> memref<16x1024xf32, #tpu.memory_space<hbm>>
    %dma_wait3A_291 = tpu.memref_slice %arg12[%dma_wait3A_284] : memref<6x!tpu.dma_semaphore, #tpu.memory_space<semaphore_mem>> -> memref<1x!tpu.dma_semaphore, #tpu.memory_space<semaphore_mem>>
    %dma_wait3A_292 = tpu.memref_squeeze %dma_wait3A_291 : memref<1x!tpu.dma_semaphore, #tpu.memory_space<semaphore_mem>> -> memref<!tpu.dma_semaphore, #tpu.memory_space<semaphore_mem>>
    %dma_wait3A_293 = arith.constant 0 : i32
    %dma_wait3A_294 = tpu.memref_slice %arg4[%add3A_282, %dma_wait3A_293] : memref<32768x1024xf32, #tpu.memory_space<hbm>> -> memref<16x1024xf32, #tpu.memory_space<hbm>>
    %dma_wait3A_295 = arith.constant 0 : i32
    %dma_wait3A_296 = arith.constant 0 : i32
    %dma_wait3A_297 = tpu.memref_slice %arg10[%dma_wait3A_283, %dma_wait3A_295, %dma_wait3A_296] : memref<6x16x1024xf32, #tpu.memory_space<vmem>> -> memref<1x16x1024xf32, #tpu.memory_space<vmem>>
    %dma_wait3A_298 = tpu.memref_squeeze %dma_wait3A_297 : memref<1x16x1024xf32, #tpu.memory_space<vmem>> -> memref<16x1024xf32, #tpu.memory_space<vmem>>
    tpu.wait_dma2 semaphore(%dma_wait3A_292 : memref<!tpu.dma_semaphore, #tpu.memory_space<semaphore_mem>>) src(%dma_wait3A_298 : memref<16x1024xf32, #tpu.memory_space<vmem>>) dst(%dma_wait3A_294 : memref<16x1024xf32, #tpu.memory_space<hbm>>)
    %add3A_299 = arith.constant 60 : i32
    %add3A_300 = arith.addi %add3A_299, %mul3A_123 : i32
    %jit3A_301 = arith.constant 64 : i32
    %eq3A_302 = arith.constant 0 : i32
    %eq3A_303 = arith.cmpi eq, %jit3A_301, %eq3A_302 : i32
    %jit3A_304 = arith.constant 1 : i32
    %select_n3A_305 = arith.select %eq3A_303, %jit3A_304, %jit3A_301 : i32
    %rem3A_306 = arith.remsi %add3A_300, %select_n3A_305 : i32
    %ne3A_307 = arith.constant 0 : i32
    %ne3A_308 = arith.cmpi ne, %rem3A_306, %ne3A_307 : i32
    %lt3A_309 = arith.constant 0 : i32
    %lt3A_310 = arith.cmpi slt, %rem3A_306, %lt3A_309 : i32
    %lt3A_311 = arith.constant 0 : i32
    %lt3A_312 = arith.cmpi slt, %select_n3A_305, %lt3A_311 : i32
    %ne3A_313 = arith.xori %lt3A_310, %lt3A_312 : i1
    %and3A_314 = arith.andi %ne3A_313, %ne3A_308 : i1
    %add3A_315 = arith.addi %rem3A_306, %select_n3A_305 : i32
    %select_n3A_316 = arith.select %and3A_314, %add3A_315, %rem3A_306 : i32
    %mul3A_317 = arith.constant 16 : i32
    %mul3A_318 = arith.muli %select_n3A_316, %mul3A_317 : i32
    %add3A_319 = arith.addi %add3A_35, %mul3A_318 : i32
    %dma_wait3A_320 = arith.constant 0 : i32
    %dma_wait3A_321 = arith.constant 0 : i32
    %dma_wait3A_322 = arith.constant 0 : i32
    %dma_wait3A_323 = arith.constant 0 : i32
    %dma_wait3A_324 = tpu.memref_slice %arg10[%dma_wait3A_320, %dma_wait3A_322, %dma_wait3A_323] : memref<6x16x1024xf32, #tpu.memory_space<vmem>> -> memref<1x16x1024xf32, #tpu.memory_space<vmem>>
    %dma_wait3A_325 = tpu.memref_squeeze %dma_wait3A_324 : memref<1x16x1024xf32, #tpu.memory_space<vmem>> -> memref<16x1024xf32, #tpu.memory_space<vmem>>
    %dma_wait3A_326 = arith.constant 0 : i32
    %dma_wait3A_327 = tpu.memref_slice %arg4[%add3A_319, %dma_wait3A_326] : memref<32768x1024xf32, #tpu.memory_space<hbm>> -> memref<16x1024xf32, #tpu.memory_space<hbm>>
    %dma_wait3A_328 = tpu.memref_slice %arg12[%dma_wait3A_321] : memref<6x!tpu.dma_semaphore, #tpu.memory_space<semaphore_mem>> -> memref<1x!tpu.dma_semaphore, #tpu.memory_space<semaphore_mem>>
    %dma_wait3A_329 = tpu.memref_squeeze %dma_wait3A_328 : memref<1x!tpu.dma_semaphore, #tpu.memory_space<semaphore_mem>> -> memref<!tpu.dma_semaphore, #tpu.memory_space<semaphore_mem>>
    %dma_wait3A_330 = arith.constant 0 : i32
    %dma_wait3A_331 = tpu.memref_slice %arg4[%add3A_319, %dma_wait3A_330] : memref<32768x1024xf32, #tpu.memory_space<hbm>> -> memref<16x1024xf32, #tpu.memory_space<hbm>>
    %dma_wait3A_332 = arith.constant 0 : i32
    %dma_wait3A_333 = arith.constant 0 : i32
    %dma_wait3A_334 = tpu.memref_slice %arg10[%dma_wait3A_320, %dma_wait3A_332, %dma_wait3A_333] : memref<6x16x1024xf32, #tpu.memory_space<vmem>> -> memref<1x16x1024xf32, #tpu.memory_space<vmem>>
    %dma_wait3A_335 = tpu.memref_squeeze %dma_wait3A_334 : memref<1x16x1024xf32, #tpu.memory_space<vmem>> -> memref<16x1024xf32, #tpu.memory_space<vmem>>
    tpu.wait_dma2 semaphore(%dma_wait3A_329 : memref<!tpu.dma_semaphore, #tpu.memory_space<semaphore_mem>>) src(%dma_wait3A_335 : memref<16x1024xf32, #tpu.memory_space<vmem>>) dst(%dma_wait3A_331 : memref<16x1024xf32, #tpu.memory_space<hbm>>)
    %add3A_336 = arith.constant 61 : i32
    %add3A_337 = arith.addi %add3A_336, %mul3A_123 : i32
    %jit3A_338 = arith.constant 64 : i32
    %eq3A_339 = arith.constant 0 : i32
    %eq3A_340 = arith.cmpi eq, %jit3A_338, %eq3A_339 : i32
    %jit3A_341 = arith.constant 1 : i32
    %select_n3A_342 = arith.select %eq3A_340, %jit3A_341, %jit3A_338 : i32
    %rem3A_343 = arith.remsi %add3A_337, %select_n3A_342 : i32
    %ne3A_344 = arith.constant 0 : i32
    %ne3A_345 = arith.cmpi ne, %rem3A_343, %ne3A_344 : i32
    %lt3A_346 = arith.constant 0 : i32
    %lt3A_347 = arith.cmpi slt, %rem3A_343, %lt3A_346 : i32
    %lt3A_348 = arith.constant 0 : i32
    %lt3A_349 = arith.cmpi slt, %select_n3A_342, %lt3A_348 : i32
    %ne3A_350 = arith.xori %lt3A_347, %lt3A_349 : i1
    %and3A_351 = arith.andi %ne3A_350, %ne3A_345 : i1
    %add3A_352 = arith.addi %rem3A_343, %select_n3A_342 : i32
    %select_n3A_353 = arith.select %and3A_351, %add3A_352, %rem3A_343 : i32
    %mul3A_354 = arith.constant 16 : i32
    %mul3A_355 = arith.muli %select_n3A_353, %mul3A_354 : i32
    %add3A_356 = arith.addi %add3A_35, %mul3A_355 : i32
    %dma_wait3A_357 = arith.constant 1 : i32
    %dma_wait3A_358 = arith.constant 1 : i32
    %dma_wait3A_359 = arith.constant 0 : i32
    %dma_wait3A_360 = arith.constant 0 : i32
    %dma_wait3A_361 = tpu.memref_slice %arg10[%dma_wait3A_357, %dma_wait3A_359, %dma_wait3A_360] : memref<6x16x1024xf32, #tpu.memory_space<vmem>> -> memref<1x16x1024xf32, #tpu.memory_space<vmem>>
    %dma_wait3A_362 = tpu.memref_squeeze %dma_wait3A_361 : memref<1x16x1024xf32, #tpu.memory_space<vmem>> -> memref<16x1024xf32, #tpu.memory_space<vmem>>
    %dma_wait3A_363 = arith.constant 0 : i32
    %dma_wait3A_364 = tpu.memref_slice %arg4[%add3A_356, %dma_wait3A_363] : memref<32768x1024xf32, #tpu.memory_space<hbm>> -> memref<16x1024xf32, #tpu.memory_space<hbm>>
    %dma_wait3A_365 = tpu.memref_slice %arg12[%dma_wait3A_358] : memref<6x!tpu.dma_semaphore, #tpu.memory_space<semaphore_mem>> -> memref<1x!tpu.dma_semaphore, #tpu.memory_space<semaphore_mem>>
    %dma_wait3A_366 = tpu.memref_squeeze %dma_wait3A_365 : memref<1x!tpu.dma_semaphore, #tpu.memory_space<semaphore_mem>> -> memref<!tpu.dma_semaphore, #tpu.memory_space<semaphore_mem>>
    %dma_wait3A_367 = arith.constant 0 : i32
    %dma_wait3A_368 = tpu.memref_slice %arg4[%add3A_356, %dma_wait3A_367] : memref<32768x1024xf32, #tpu.memory_space<hbm>> -> memref<16x1024xf32, #tpu.memory_space<hbm>>
    %dma_wait3A_369 = arith.constant 0 : i32
    %dma_wait3A_370 = arith.constant 0 : i32
    %dma_wait3A_371 = tpu.memref_slice %arg10[%dma_wait3A_357, %dma_wait3A_369, %dma_wait3A_370] : memref<6x16x1024xf32, #tpu.memory_space<vmem>> -> memref<1x16x1024xf32, #tpu.memory_space<vmem>>
    %dma_wait3A_372 = tpu.memref_squeeze %dma_wait3A_371 : memref<1x16x1024xf32, #tpu.memory_space<vmem>> -> memref<16x1024xf32, #tpu.memory_space<vmem>>
    tpu.wait_dma2 semaphore(%dma_wait3A_366 : memref<!tpu.dma_semaphore, #tpu.memory_space<semaphore_mem>>) src(%dma_wait3A_372 : memref<16x1024xf32, #tpu.memory_space<vmem>>) dst(%dma_wait3A_368 : memref<16x1024xf32, #tpu.memory_space<hbm>>)
    %add3A_373 = arith.constant 62 : i32
    %add3A_374 = arith.addi %add3A_373, %mul3A_123 : i32
    %jit3A_375 = arith.constant 64 : i32
    %eq3A_376 = arith.constant 0 : i32
    %eq3A_377 = arith.cmpi eq, %jit3A_375, %eq3A_376 : i32
    %jit3A_378 = arith.constant 1 : i32
    %select_n3A_379 = arith.select %eq3A_377, %jit3A_378, %jit3A_375 : i32
    %rem3A_380 = arith.remsi %add3A_374, %select_n3A_379 : i32
    %ne3A_381 = arith.constant 0 : i32
    %ne3A_382 = arith.cmpi ne, %rem3A_380, %ne3A_381 : i32
    %lt3A_383 = arith.constant 0 : i32
    %lt3A_384 = arith.cmpi slt, %rem3A_380, %lt3A_383 : i32
    %lt3A_385 = arith.constant 0 : i32
    %lt3A_386 = arith.cmpi slt, %select_n3A_379, %lt3A_385 : i32
    %ne3A_387 = arith.xori %lt3A_384, %lt3A_386 : i1
    %and3A_388 = arith.andi %ne3A_387, %ne3A_382 : i1
    %add3A_389 = arith.addi %rem3A_380, %select_n3A_379 : i32
    %select_n3A_390 = arith.select %and3A_388, %add3A_389, %rem3A_380 : i32
    %mul3A_391 = arith.constant 16 : i32
    %mul3A_392 = arith.muli %select_n3A_390, %mul3A_391 : i32
    %add3A_393 = arith.addi %add3A_35, %mul3A_392 : i32
    %dma_wait3A_394 = arith.constant 2 : i32
    %dma_wait3A_395 = arith.constant 2 : i32
    %dma_wait3A_396 = arith.constant 0 : i32
    %dma_wait3A_397 = arith.constant 0 : i32
    %dma_wait3A_398 = tpu.memref_slice %arg10[%dma_wait3A_394, %dma_wait3A_396, %dma_wait3A_397] : memref<6x16x1024xf32, #tpu.memory_space<vmem>> -> memref<1x16x1024xf32, #tpu.memory_space<vmem>>
    %dma_wait3A_399 = tpu.memref_squeeze %dma_wait3A_398 : memref<1x16x1024xf32, #tpu.memory_space<vmem>> -> memref<16x1024xf32, #tpu.memory_space<vmem>>
    %dma_wait3A_400 = arith.constant 0 : i32
    %dma_wait3A_401 = tpu.memref_slice %arg4[%add3A_393, %dma_wait3A_400] : memref<32768x1024xf32, #tpu.memory_space<hbm>> -> memref<16x1024xf32, #tpu.memory_space<hbm>>
    %dma_wait3A_402 = tpu.memref_slice %arg12[%dma_wait3A_395] : memref<6x!tpu.dma_semaphore, #tpu.memory_space<semaphore_mem>> -> memref<1x!tpu.dma_semaphore, #tpu.memory_space<semaphore_mem>>
    %dma_wait3A_403 = tpu.memref_squeeze %dma_wait3A_402 : memref<1x!tpu.dma_semaphore, #tpu.memory_space<semaphore_mem>> -> memref<!tpu.dma_semaphore, #tpu.memory_space<semaphore_mem>>
    %dma_wait3A_404 = arith.constant 0 : i32
    %dma_wait3A_405 = tpu.memref_slice %arg4[%add3A_393, %dma_wait3A_404] : memref<32768x1024xf32, #tpu.memory_space<hbm>> -> memref<16x1024xf32, #tpu.memory_space<hbm>>
    %dma_wait3A_406 = arith.constant 0 : i32
    %dma_wait3A_407 = arith.constant 0 : i32
    %dma_wait3A_408 = tpu.memref_slice %arg10[%dma_wait3A_394, %dma_wait3A_406, %dma_wait3A_407] : memref<6x16x1024xf32, #tpu.memory_space<vmem>> -> memref<1x16x1024xf32, #tpu.memory_space<vmem>>
    %dma_wait3A_409 = tpu.memref_squeeze %dma_wait3A_408 : memref<1x16x1024xf32, #tpu.memory_space<vmem>> -> memref<16x1024xf32, #tpu.memory_space<vmem>>
    tpu.wait_dma2 semaphore(%dma_wait3A_403 : memref<!tpu.dma_semaphore, #tpu.memory_space<semaphore_mem>>) src(%dma_wait3A_409 : memref<16x1024xf32, #tpu.memory_space<vmem>>) dst(%dma_wait3A_405 : memref<16x1024xf32, #tpu.memory_space<hbm>>)
    %add3A_410 = arith.constant 63 : i32
    %add3A_411 = arith.addi %add3A_410, %mul3A_123 : i32
    %jit3A_412 = arith.constant 64 : i32
    %eq3A_413 = arith.constant 0 : i32
    %eq3A_414 = arith.cmpi eq, %jit3A_412, %eq3A_413 : i32
    %jit3A_415 = arith.constant 1 : i32
    %select_n3A_416 = arith.select %eq3A_414, %jit3A_415, %jit3A_412 : i32
    %rem3A_417 = arith.remsi %add3A_411, %select_n3A_416 : i32
    %ne3A_418 = arith.constant 0 : i32
    %ne3A_419 = arith.cmpi ne, %rem3A_417, %ne3A_418 : i32
    %lt3A_420 = arith.constant 0 : i32
    %lt3A_421 = arith.cmpi slt, %rem3A_417, %lt3A_420 : i32
    %lt3A_422 = arith.constant 0 : i32
    %lt3A_423 = arith.cmpi slt, %select_n3A_416, %lt3A_422 : i32
    %ne3A_424 = arith.xori %lt3A_421, %lt3A_423 : i1
    %and3A_425 = arith.andi %ne3A_424, %ne3A_419 : i1
    %add3A_426 = arith.addi %rem3A_417, %select_n3A_416 : i32
    %select_n3A_427 = arith.select %and3A_425, %add3A_426, %rem3A_417 : i32
    %mul3A_428 = arith.constant 16 : i32
    %mul3A_429 = arith.muli %select_n3A_427, %mul3A_428 : i32
    %add3A_430 = arith.addi %add3A_35, %mul3A_429 : i32
    %dma_wait3A_431 = arith.constant 3 : i32
    %dma_wait3A_432 = arith.constant 3 : i32
    %dma_wait3A_433 = arith.constant 0 : i32
    %dma_wait3A_434 = arith.constant 0 : i32
    %dma_wait3A_435 = tpu.memref_slice %arg10[%dma_wait3A_431, %dma_wait3A_433, %dma_wait3A_434] : memref<6x16x1024xf32, #tpu.memory_space<vmem>> -> memref<1x16x1024xf32, #tpu.memory_space<vmem>>
    %dma_wait3A_436 = tpu.memref_squeeze %dma_wait3A_435 : memref<1x16x1024xf32, #tpu.memory_space<vmem>> -> memref<16x1024xf32, #tpu.memory_space<vmem>>
    %dma_wait3A_437 = arith.constant 0 : i32
    %dma_wait3A_438 = tpu.memref_slice %arg4[%add3A_430, %dma_wait3A_437] : memref<32768x1024xf32, #tpu.memory_space<hbm>> -> memref<16x1024xf32, #tpu.memory_space<hbm>>
    %dma_wait3A_439 = tpu.memref_slice %arg12[%dma_wait3A_432] : memref<6x!tpu.dma_semaphore, #tpu.memory_space<semaphore_mem>> -> memref<1x!tpu.dma_semaphore, #tpu.memory_space<semaphore_mem>>
    %dma_wait3A_440 = tpu.memref_squeeze %dma_wait3A_439 : memref<1x!tpu.dma_semaphore, #tpu.memory_space<semaphore_mem>> -> memref<!tpu.dma_semaphore, #tpu.memory_space<semaphore_mem>>
    %dma_wait3A_441 = arith.constant 0 : i32
    %dma_wait3A_442 = tpu.memref_slice %arg4[%add3A_430, %dma_wait3A_441] : memref<32768x1024xf32, #tpu.memory_space<hbm>> -> memref<16x1024xf32, #tpu.memory_space<hbm>>
    %dma_wait3A_443 = arith.constant 0 : i32
    %dma_wait3A_444 = arith.constant 0 : i32
    %dma_wait3A_445 = tpu.memref_slice %arg10[%dma_wait3A_431, %dma_wait3A_443, %dma_wait3A_444] : memref<6x16x1024xf32, #tpu.memory_space<vmem>> -> memref<1x16x1024xf32, #tpu.memory_space<vmem>>
    %dma_wait3A_446 = tpu.memref_squeeze %dma_wait3A_445 : memref<1x16x1024xf32, #tpu.memory_space<vmem>> -> memref<16x1024xf32, #tpu.memory_space<vmem>>
    tpu.wait_dma2 semaphore(%dma_wait3A_440 : memref<!tpu.dma_semaphore, #tpu.memory_space<semaphore_mem>>) src(%dma_wait3A_446 : memref<16x1024xf32, #tpu.memory_space<vmem>>) dst(%dma_wait3A_442 : memref<16x1024xf32, #tpu.memory_space<hbm>>)
    return
  }
}

</mosaic_0001>

<sc_bundles>
// kernel: kernel.3.cloned.1.call-start
scs
__scs_entry_jumppad:
0x0: {  	(pc) =	sbr.rel $0x88, $3  }
0x1: {  	(tag) =	ssettag $0x0;
	lr =	simm.s32 $0x1  }
0x2: {  	[smem:$0x3F9F] =	sst lr;
	_ =	strace $0xD0000000  }
0x3: {  	_ = 	snop  }
0x4: {  	_ = 	snop  }
0x5: {  	_ = 	snop  }
0x6: {  	_ = 	snop  }
0x7: {  	_ = 	snop  }
__scs_overlays_trampoline_lowered:
0x8: {  	[smem:$0x3FAE] =	sst s0  }
0x9: {  	[smem:$0x3FAF] =	sst s1  }
0xa: {  	[smem:$0x3FB0] =	sst s2  }
0xb: {  	[smem:$0x3FB1] =	sst s3  }
0xc: {  	[smem:$0x3FB2] =	sst s4  }
0xd: {  	[smem:$0x3FB3] =	sst s5  }
0xe: {  	[smem:$0x3FB4] =	sst s6  }
0xf: {  	[smem:$0x3FB5] =	sst s7  }
0x10: {  	[smem:$0x3FB6] =	sst s8  }
0x11: {  	[smem:$0x3FB7] =	sst s9;
	s0 =	simm.s32 @!p0 $0x0  }
0x12: {  	s1 =	sld [smem:$0x3F9D];
	s0 =	simm.s32 @p0 $0x1  }
0x13: {  	[smem:$0x3FB8] =	sst s0;
	s0 =	simm.s32 @!p1 $0x0  }
0x14: {  	s2 =	sld [smem:$0x3F9C];
	s0 =	simm.s32 @p1 $0x1  }
0x15: {  	[smem:$0x3FB9] =	sst s0;
	s0 =	simm.s32 @!p2 $0x0  }
0x16: {  	s3 =	sld [smem:$0x3FDB];
	s0 =	simm.s32 @p2 $0x1  }
0x17: {  	s4 =	simm.s32 $0x1BF5;
	[smem:$0x3FBB] =	sst s0  }
0x18: {  	s0 =	sld [smem:$0x3F9E];
	_ =	swait.ge [sflag:s4], $0x0  }
0x19: {  	s7 =	sld [smem:$0x3F9F]  }
0x1a: {  	s8 =	sadd.s32 $0xFFFFE003, lr  }
0x1b: {  	s9 =	sadd.s32 $0xFFFFFEF7, lr;
	s5 =	simm.s32 $0xFFFFFFFF;
	p2 =	slt.u32 s8, $0xFFFFF086  }
0x1c: {  	p1 =	slt.u32 s9, $0xF7A;
	s5 =	simm.s32 @!p2 $0x0  }
0x1d: {  	s5 =	simm.s32 @p1 $0x1;
	p0 =	seq.s32 s7, s2  }
0x1e: {  	s7 =	smul.u32 @!p0 $0xF7A, s2;
	p2 =	seq.s32 @!p0 s5, $0x0  }
0x1f: {  	s9 =	smul.u32 $0xF7A, s1;
	s8 =	simm.s32 @!p0 $0x1BF5;
	p2 =	por !p2, p0  }
0x20: {  	[sflag:s8] =	ssyncset.s32 @!p0 $0xFFFFF086;
	s6 =	sadd.s32 @!p0 s3, s7;
	s7 =	simm.s32 @!p0 $0x108  }
0x21: {  	s3 =	sadd.s32 s3, s9;
	s6 =	sadd.s32 @!p0 $0x88, s6;
	s7 =	simm.s32 @p2 $0x1082  }
0x22: {  	[simem:s7], [sflag:s8] =	dma.local @!p0 [hbm:s6], $0xF7A  }
0x23: {  	s9 =	sor.u32 $0xD0000000, s2;
	s6 =	simm.s32 $0x108;
	_ =	swait.ge @!p0 [sflag:s8], $0x0  }
0x24: {  	s3 =	sadd.s32 $0x88, s3;
	s6 =	simm.s32 @!p1 $0x1082;
	[sflag:s4] =	ssyncset.s32 $0xFFFFF086  }
0x25: {  	[simem:s6], [sflag:s4] =	dma.local [hbm:s3], $0xF7A  }
0x26: {  	[smem:$0x3F9F] =	sst s1;
	(tag) =	ssettag s2;
	_ =	strace s9  }
0x27: {  	s1 =	sld [smem:$0x3FAF]  }
0x28: {  	s2 =	sld [smem:$0x3FB0]  }
0x29: {  	s4 =	sld [smem:$0x3FB2]  }
0x2a: {  	p0 =	seq.s32 s5, $0x0;
	s5 =	sld [smem:$0x3FB3]  }
0x2b: {  	s6 =	sld [smem:$0x3FB4]  }
0x2c: {  	s7 =	sld [smem:$0x3FB5]  }
0x2d: {  	s3 =	simm.s32 $0x108;
	s8 =	sld [smem:$0x3FB6]  }
0x2e: {  	s3 =	simm.s32 @!p0 $0x1082;
	s9 =	sld [smem:$0x3FB7]  }
0x2f: {  	lr =	sadd.s32 s0, s3;
	s0 =	sld [smem:$0x3FAE]  }
0x30: {  	s3 =	sld [smem:$0x3FB1]  }
0x31: {  	[smem:$0x3FBA] =	sst s10  }
0x32: {  	s10 =	sld [smem:$0x3FB8];
	_ =	sdelay $0x3  }
0x33: {  	p0 =	seq.s32 s10, $0x1;
	s10 =	sld [smem:$0x3FBA];
	_ =	sdelay $0x3  }
0x34: {  	[smem:$0x3FBA] =	sst s10  }
0x35: {  	s10 =	sld [smem:$0x3FB9];
	_ =	sdelay $0x3  }
0x36: {  	p1 =	seq.s32 s10, $0x1;
	s10 =	sld [smem:$0x3FBA];
	_ =	sdelay $0x3  }
0x37: {  	[smem:$0x3FBA] =	sst s10  }
0x38: {  	s10 =	sld [smem:$0x3FBB]  }
0x39: {  	_ = 	snop;
	(pc) =	sbr.ind lr, $3  }
0x3a: {  	_ = 	snop  }
0x3b: {  	_ = 	snop  }
0x3c: {  	p2 =	seq.s32 s10, $0x1;
	s10 =	sld [smem:$0x3FBA]  }
0x3d: {  	_ =	shalt  }
0x3e: {  	_ =	shalt  }
0x3f: {  	_ =	shalt  }
0x40: {  	_ =	shalt  }
0x41: {  	_ =	shalt  }
0x42: {  	_ =	shalt  }
0x43: {  	_ =	shalt  }
0x44: {  	_ =	shalt  }
0x45: {  	_ =	shalt  }
0x46: {  	_ =	shalt  }
0x47: {  	_ =	shalt  }
0x48: {  	_ =	shalt  }
0x49: {  	_ =	shalt  }
0x4a: {  	_ =	shalt  }
0x4b: {  	_ =	shalt  }
0x4c: {  	_ =	shalt  }
0x4d: {  	_ =	shalt  }
0x4e: {  	_ =	shalt  }
0x4f: {  	_ =	shalt  }
0x50: {  	_ =	shalt  }
0x51: {  	_ =	shalt  }
0x52: {  	_ =	shalt  }
0x53: {  	_ =	shalt  }
0x54: {  	_ =	shalt  }
0x55: {  	_ =	shalt  }
0x56: {  	_ =	shalt  }
0x57: {  	_ =	shalt  }
0x58: {  	_ =	shalt  }
0x59: {  	_ =	shalt  }
0x5a: {  	_ =	shalt  }
0x5b: {  	_ =	shalt  }
0x5c: {  	_ =	shalt  }
0x5d: {  	_ =	shalt  }
0x5e: {  	_ =	shalt  }
0x5f: {  	_ =	shalt  }
0x60: {  	_ =	shalt  }
0x61: {  	_ =	shalt  }
0x62: {  	_ =	shalt  }
0x63: {  	_ =	shalt  }
0x64: {  	_ =	shalt  }
0x65: {  	_ =	shalt  }
0x66: {  	_ =	shalt  }
0x67: {  	_ =	shalt  }
0x68: {  	_ =	shalt  }
0x69: {  	_ =	shalt  }
0x6a: {  	_ =	shalt  }
0x6b: {  	_ =	shalt  }
0x6c: {  	_ =	shalt  }
0x6d: {  	_ =	shalt  }
0x6e: {  	_ =	shalt  }
0x6f: {  	_ =	shalt  }
0x70: {  	_ =	shalt  }
0x71: {  	_ =	shalt  }
0x72: {  	_ =	shalt  }
0x73: {  	_ =	shalt  }
0x74: {  	_ =	shalt  }
0x75: {  	_ =	shalt  }
0x76: {  	_ =	shalt  }
0x77: {  	_ =	shalt  }
0x78: {  	_ =	shalt  }
0x79: {  	_ =	shalt  }
0x7a: {  	_ =	shalt  }
0x7b: {  	_ =	shalt  }
0x7c: {  	_ =	shalt  }
0x7d: {  	_ =	shalt  }
0x7e: {  	_ =	shalt  }
0x7f: {  	_ =	shalt  }
0x80: {  	_ =	shalt  }
0x81: {  	_ =	shalt  }
0x82: {  	_ =	shalt  }
0x83: {  	_ =	shalt  }
0x84: {  	_ =	shalt  }
0x85: {  	_ =	shalt  }
0x86: {  	_ =	shalt  }
0x87: {  	_ =	shalt  }
.Lfunc_end0:
.L_simem_size_0:
called_computation_lowered:
.L_overlay_start_0:
0x88: {  	s2 =	sld [smem:$0x3FD9]  }
0x89: {  	s3 =	sld [smem:$0x3FFE];
	_ =	sdelay $0x1  }
0x8a: {  	s1 =	srdreg.scid  }
0x8b: {  	s0 =	sand.u32 $0x1, s1  }
0x8c: {  	s17 =	sshll.u32 s0, $0xA;
	s2 =	sadd.s32 s3, s2  }
0x8d: {  	s2 =	sadd.s32 s2, s17  }
0x8e: {  	[smem:$0x3FC6] =	sst s2  }
0x8f: {  	_ = 	snop  }
0x90: {  	s2 =	sld [smem:$0x3FC8]  }
0x91: {  	s18 =	sld [smem:$0x3FD0];
	(tm) =	ssettm $0x1  }
0x92: {  	s4 =	sld [smem:$0x3FFB];
	_ =	sdelay $0x3  }
0x93: {  	_ =	strace s4  }
0x94: {  	s4 =	sld [smem:$0x3FFC];
	_ =	sdelay $0x3  }
0x95: {  	_ =	strace s4  }
0x96: {  	s4 =	sld [smem:$0x3FFD];
	_ =	sdelay $0x3  }
0x97: {  	_ =	strace s4  }
0x98: {  	_ =	strace $0x8FFFFFFF  }
0x99: {  	s19 =	sld [smem:$0x3FDB];
	_ =	sdelay $0x1  }
0x9a: {  	s5 =	simm.s32 $_scs_section_size  }
0x9b: {  	s6 =	simm.s32 $_size__tile_overlayer_lowered;
	s7 =	simm.s32 $_tile_overlayer_lowered  }
0x9c: {  	s22 =	simm.s32 $0x1BFF;
	s21 =	sshll.u32 s7, $0x1;
	s4 =	sadd.s32 s5, s19  }
0x9d: {  	s8 =	simm.s32 $0x0;
	s20 =	sshll.u32 s6, $0x1;
	s6 =	sadd.s32 s21, s4  }
0x9e: {  	[timem:s8], [sflag:s22] =	dma.local [hbm:s6], s20  }
0x9f: {  	_ =	swait.ge [sflag:s22], s20  }
0xa0: {  	s5 =	ssub.s32 $0x0, s20;
	[sflag:s22] =	ssyncset.done $0x0  }
0xa1: {  	[sflag:s22] =	ssyncadd.s32 s5;
	_ =	sdelay $0x1  }
0xa2: {  	s23 =	simm.s32 $0x1B8B  }
0xa3: {  	_ =	swait.ge [sflag:s23], $0x1  }
0xa4: {  	[sflag:s23] =	ssyncset.done $0x0  }
0xa5: {  	s25 =	simm.s32 $0x1B8E;
	s24 =	sld [smem:$0x3FFE];
	[sflag:s23] =	ssyncadd.s32 $0xFFFFFFFF  }
0xa6: {  	s26 =	simm.s32 $execute0_lowered;
	[smem:$0x3FD2] =	sst s25  }
0xa7: {  	s6 =	sshll.u32 s26, $0x1;
	_ =	strace $0x80000046;
	[dreg:$0x1] =	wrdreg $0xFFFFFFFF  }
0xa8: {  	s28 =	simm.s32 $_size_execute0_lowered;
	s4 =	sadd.s32 s4, s6;
	[dreg:$0x0] =	wrdreg $0x0  }
0xa9: {  	s6 =	sshll.u32 s28, $0x1;
	[dreg:$0x2] =	wrdreg s4  }
0xaa: {  	[dreg:$0x3] =	wrdreg s6  }
0xab: {  	[dreg:$0x4] =	wrdreg $0xC0  }
0xac: {  	_ =	task [dreg:s8], $0x5FFFF  }
0xad: {  	[dreg:$0x1] =	wrdreg $0xFFFFFFFF  }
0xae: {  	[dreg:$0x0] =	wrdreg $0x60  }
0xaf: {  	[dreg:$0x2] =	wrdreg s24  }
0xb0: {  	[dreg:$0x3] =	wrdreg s2  }
0xb1: {  	[dreg:$0x4] =	wrdreg s18  }
0xb2: {  	[dreg:$0x5] =	wrdreg $0x10800  }
0xb3: {  	[dreg:$0x6] =	wrdreg $0x9  }
0xb4: {  	_ =	task.clear_ibuf [dreg:s8], $0x7FFFF;
	_ =	strace $0x90000046  }
0xb5: {  	s29 =	simm.s32 $0x9;
	_ =	strace $0x80000048  }
0xb6: {  	_ =	swait.ge [sflag:s29], $0x1  }
0xb7: {  	[sflag:s29] =	ssyncadd.s32 $0xFFFFFFFF  }
0xb8: {  	_ =	strace $0x90000048  }
0xb9: {  	_ =	sfence  }
0xba: {  	s30 =	sld [smem:$0x0];
	_ =	sdelay $0x2  }
0xbb: {  	s31 =	sshll.u32 s1, $0xD;
	s1 =	sshrl.u32 s1, $0x2  }
0xbc: {  	s3 =	sand.u32 $0x4000, s31;
	s1 =	sadd.s32 s1, s30  }
0xbd: {  	s0 =	sor.u32 s3, s0;
	s1 =	sshll.u32 s1, $0x11  }
0xbe: {  	s0 =	sor.u32 s1, s0  }
0xbf: {  	s0 =	sadd.s32 $0x8F2B, s0  }
0xc0: {  	[sflag:s0] =	ssyncadd.remote.s32 $0x1  }
0xc1: {  	_ =	sfence.sel $0xFFFF  }
0xc2: {  	[dreg:$0x0] =	wrdreg $0xFFFFFFFF;
	(pc) =	sbr.abs _section_cstart, $3  }
0xc3: {  	[dreg:$0x1] =	wrdreg $0xFFFFFFFF  }
0xc4: {  	_ =	task.clear_ibuf [dreg:s8], $0x2FFFF;
	_ =	strace $0x9FFFFFFF  }
0xc5: {  	(tm) =	ssettm $0x7FFFFFFF  }
tec
execute0_lowered:
.L_overlay_start_1:
0x0: {  	(tag) =	ssettag $0x1  }
0x1: {  	s0 =	rddreg [dreg:$0x0]  }
0x2: {  	s1 =	rddreg [dreg:$0x1]  }
0x3: {  	s2 =	srdreg.scid;
	s3 =	rddreg [dreg:$0x2]  }
0x4: {  	s13 =	stileid.u32;
	s11 =	rddreg [dreg:$0x3]  }
0x5: {  	s17 =	simm.s32 $0xD;
	s18 =	simm.s32 $0x1090;
	s16 =	simm.s32 $0x9090  }
0x6: {  	s20 =	simm.s32 $0xD090;
	s30 =	simm.s32 $0x1;
	s15 =	simm.s32 $0x9  }
0x7: {  	s19 =	simm.s32 $0x5;
	s21 =	simm.s32 $0x6;
	s22 =	simm.s32 $0x0  }
0x8: {  	s2 =	sand.u32 $0x1, s2;
	s4 =	sshrl.u32 s13, $0x3;
	s6 =	sshll.u32 s13, $0xA  }
0x9: {  	s10 =	sshll.u32 s13, $0x7;
	s12 =	sadd.s32 $0x300, s1;
	v1 =	vmov s13;
	s13 =	simm.s32 $0x7  }
0xa: {  	s5 =	sshll.u32 s2, $0x1;
	s6 =	sand.u32 $0x1C00, s6;
	s9 =	ssub.s32 $0x2, s2  }
0xb: {  	s25 =	sadd.s32 s10, s11;
	s10 =	sadd.s32 $0x100, s1;
	s11 =	sadd.s32 $0x200, s1  }
0xc: {  	s28 =	sshll.u32 s2, $0x9;
	s29 =	sshll.u32 s4, $0x8;
	s2 =	simm.s32 $0x2  }
0xd: {  	s7 =	sor.u32 s4, s5;
	s5 =	simm.s32 $0x0;
	s24 =	sshrl.u32 s9, $0x1  }
0xe: {  	v0 =	vmov s4;
	s14 =	sor.u32 s29, s28;
	s4 =	simm.s32 $0x3;
	s8 =	sshll.u32 s7, $0xD  }
0xf: {  	[smem:$0x7FF] =	sst s5;
	s26 =	sshll.u32 s7, $0x8;
	s6 =	sor.u32 s6, s8  }
.Ltmp0:
0x10: {  	v4 =	vlaneseq.u32;
	s7 =	simm.s32 $0x4;
	s8 =	sshrl.u32 s6, $0x3;
	(pc) =	sbr.rel .LBB2_1-.Ltmp0, $4  }
0x11: {  	v3 =	vshrl.u32 v4, $0x3;
	_ =	strace $0x80000047;
	[dreg:$0x6] =	wrdreg s25;
	s0 =	sadd.s32 s8, s0  }
0x12: {  	v2 =	vand.u32 $0x7, v4;
	vm1 =	vgt.u32 v1, v4;
	v1 =	vmul.u32 $0x80, v4;
	[dreg:$0x7] =	wrdreg s26;
	s8 =	ssub.s32 s9, s24;
	s0 =	sadd.s32 $0x400, s0  }
0x13: {  	v4 =	vor.u32 $0x8, v4;
	vm0 =	veq.s32 v0, v3;
	v0 =	vimm.s32 $0x0;
	s26 =	simm.s32 $0x5090;
	s31 =	smax.u32 s8, $0x1;
	[dreg:$0x5] =	wrdreg s0  }
0x14: {  	v3 =	vmul.u32 $0x8, v3;
	vm0 =	vmand vm1, vm0;
	vm1 =	vmmov $0xffff;
	s9 =	simm.s32 $0x8;
	[dreg:$0x8] =	wrdreg s31;
	s0 =	simm.s32 $0x15090  }
.LBB2_16:
0x15: {  	_ =	swait.ge [sflag:s7], $0x4000  }
0x16: {  	[sflag:s7] =	ssyncset.done $0x0  }
0x17: {  	s8 =	sadd.s32 s3, s8;
	s28 =	simm.s32 $0xB;
	[sflag:s7] =	ssyncadd.s32 $0xFFFFC000  }
0x18: {  	[hbm4b:s8+s5] =	stream.linear.scatter [tilespmem:s20], [sflag:$0xA], $0x4000, $0x38;
	[tilespmem:$0x19090] =	vst v63  }
0x19: {  	_ =	swait.ge [sflag:s28], $0x4000  }
0x1a: {  	[sflag:s28] =	ssyncset.done $0x0  }
0x1b: {  	s29 =	simm.s32 $0xC;
	[sflag:s28] =	ssyncadd.s32 $0xFFFFC000  }
0x1c: {  	_ =	swait.ge [sflag:s29], $0x4000  }
0x1d: {  	[sflag:s29] =	ssyncset.done $0x0  }
0x1e: {  	[sflag:s29] =	ssyncadd.s32 $0xFFFFC000  }
0x1f: {  	_ =	swait.ge [sflag:s13], $0x4000  }
0x20: {  	[sflag:s13] =	ssyncset.done $0x0  }
0x21: {  	[sflag:s13] =	ssyncadd.s32 $0xFFFFC000  }
0x22: {  	_ =	swait.ge [sflag:s9], $0x4000  }
0x23: {  	[sflag:s9] =	ssyncset.done $0x0  }
0x24: {  	[sflag:s9] =	ssyncadd.s32 $0xFFFFC000  }
0x25: {  	_ =	swait.ge [sflag:s15], $0x4000  }
0x26: {  	[sflag:s15] =	ssyncset.done $0x0  }
0x27: {  	s17 =	simm.s32 $0xA;
	[sflag:s15] =	ssyncadd.s32 $0xFFFFC000  }
0x28: {  	_ =	swait.ge [sflag:s17], $0x4000  }
0x29: {  	s22 =	rddreg [dreg:$0x9]  }
0x2a: {  	s31 =	rddreg [dreg:$0x8];
	s22 =	sadd.s32 $0x1, s22  }
0x2b: {  	p0 =	sne.s32 s22, s31  }
.Ltmp1:
0x2c: {  	_ = 	snop;
	(pc) =	sbr.rel @!p0 .LBB2_17-.Ltmp1, $3  }
0x2d: {  	_ =	sdelay $0x1  }
0x2e: {  	[sflag:s17] =	ssyncset.done $0x0  }
0x2f: {  	[sflag:s17] =	ssyncadd.s32 $0xFFFFC000;
	s17 =	simm.s32 $0xD  }
.LBB2_1:
0x30: {  	[dreg:$0x9] =	wrdreg s22  }
0x31: {  	s8 =	rddreg [dreg:$0x5]  }
0x32: {  	[tilespmem:s5], [sflag:$0xD] =	stream.linear.gather [hbm4b:s8+s5], $0x400, $0x38;
	[tilespmem:$0x19090] =	vst v63  }
0x33: {  	_ =	swait.ge [sflag:s17], $0x400  }
0x34: {  	[sflag:s17] =	ssyncset.done $0x0  }
0x35: {  	s31 =	simm.s32 $0x0;
	[sflag:s17] =	ssyncadd.s32 $0xFFFFFC00  }
0x36: {  	v6 =	vld [tilespmem:s31+$0x0]  }
0x37: {  	v5 =	vimm.s32 $0x0;
	s8 =	simm.s32 $0x40  }
.LBB2_2:
0x38: {  	p0 =	sne.s32 s8, $0xFC0  }
.Ltmp2:
0x39: {  	_ = 	snop;
	(pc) =	sbr.rel @p0 .LBB2_2-.Ltmp2, $4  }
0x3a: {  	_ = 	snop  }
0x3b: {  	s22 =	sshra.s32 s8, $0x2;
	s8 =	sadd.s32 $0x40, s8;
	vm2 =	vne.s32 v6, $0x1  }
0x3c: {  	v6 =	vld [tilespmem:s22+$0x0];
	v7 =	vsel vm2, $0x1, v0  }
0x3d: {  	v5 =	vadd.s32 v7, v5  }
0x3e: {  	_ =	sdelay $0x2  }
0x3f: {  	vm2 =	vne.s32 v6, $0x1  }
0x40: {  	v6 =	vsel vm2, $0x1, v0  }
0x41: {  	v5 =	vadd.s32 v6, v5  }
0x42: {  	(xrf0) =	vadd.scan.msk.s32 $0xffff, v5;
	_ =	sdelay $0x5  }
0x43: {  	v5, _, _ =	vpop (xrf0)  }
0x44: {  	v5 =	vbroadcast v5, $0xF;
	_ =	sdelay $0x1  }
0x45: {  	s8 =	rddreg [dreg:$0x6];
	s22 =	simm.s32 $0x800;
	[tilespmem:$0x800] =	vst v5  }
0x46: {  	[spmem:s8] =	stream.linear.scatter [tilespmem:s22], [sflag:$0xD], $0x80, $0x38;
	[tilespmem:$0x19090] =	vst v63  }
0x47: {  	_ =	swait.ge [sflag:s17], $0x80  }
0x48: {  	[sflag:s17] =	ssyncset.done $0x0  }
0x49: {  	[sflag:s17] =	ssyncadd.s32 $0xFFFFFF80  }
0x4a: {  	[bflag:$0x0] =	sbarrier.arrive $0xFFFF  }
0x4b: {  	s31 =	simm.s32 $0x880;
	s25 =	rddreg [dreg:$0x3]  }
0x4c: {  	[tilespmem:s31], [sflag:$0xD] =	stream.linear.gather [spmem:s25], $0x800, $0x38;
	[tilespmem:$0x19090] =	vst v63  }
0x4d: {  	_ =	swait.ge [sflag:s17], $0x800  }
0x4e: {  	[sflag:s17] =	ssyncset.done $0x0  }
0x4f: {  	[sflag:s17] =	ssyncadd.s32 $0xFFFFF800  }
0x50: {  	v5 =	vld.idx.msk [tilespmem:v1+s31+$0x0], $0xffff;
	_ =	sdelay $0x4  }
0x51: {  	v5 =	vnsel vm0, $0x0, v5  }
0x52: {  	(xrf0) =	vadd.scan.msk.s32 $0xffff, v5;
	_ =	sdelay $0x2  }
0x53: {  	s24 =	simm.s32 $0x0  }
0x54: {  	v6 =	vld [tilespmem:s24+$0x0];
	_ =	sdelay $0x1  }
0x55: {  	s23 =	simm.s32 $0x10;
	v5, _, _ =	vpop (xrf0)  }
0x56: {  	s22 =	simm.s32 $0x20;
	(v2sf) =	vpush v5, $0xF;
	v5 =	vld [tilespmem:s23+$0x0]  }
0x57: {  	v7 =	vld [tilespmem:s22+$0x0]  }
0x58: {  	vm2 =	vne.s32 v6, $0x1  }
0x59: {  	v6 =	vsel vm2, $0x1, v0  }
0x5a: {  	(xrf0) =	vadd.scan.msk.s32 $0xffff, v6  }
0x5b: {  	vm3 =	vne.s32 v5, $0x1  }
0x5c: {  	vm4 =	vne.s32 v7, $0x1;
	v5 =	vsel vm3, $0x1, v0  }
0x5d: {  	(xrf0) =	vadd.scan.msk.s32 $0xffff, v5;
	v5 =	vsel vm4, $0x1, v0  }
0x5e: {  	s25 =	simm.s32 $0x30;
	(xrf0) =	vadd.scan.msk.s32 $0xffff, v5  }
0x5f: {  	v7 =	vld [tilespmem:s25+$0x0]  }
0x60: {  	v6, _, _ =	vpop (xrf0)  }
0x61: {  	(v2sf) =	vpush v6, $0xF;
	_ =	sdelay $0x1  }
0x62: {  	v5, _, _ =	vpop (xrf0)  }
0x63: {  	vm6 =	vne.s32 v7, $0x1;
	(v2sf) =	vpush v5, $0xF;
	v7, _, _ =	vpop (xrf0)  }
0x64: {  	s29 =	spop (v2sf);
	(v2sf) =	vpush v7, $0xF;
	_ =	sdelay $0x3  }
0x65: {  	vm2 =	vmmov vm2  }
0x66: {  	s28 =	simm.s32 $0x40;
	vm2 =	vmmov vm2;
	v8 =	vsel vm6, $0x1, v0  }
0x67: {  	vm2 =	vmmov vm2;
	vm3 =	vmmov vm3;
	(xrf0) =	vadd.scan.msk.s32 $0xffff, v8;
	v8 =	vld [tilespmem:s28+$0x0]  }
0x68: {  	vm2 =	vmmov vm2;
	vm3 =	vmmov vm3;
	v9 =	vmov s29  }
0x69: {  	vm4 =	vmmov vm4;
	vm3 =	vmmov vm3;
	v9 =	vadd.s32 $0x1, v9  }
0x6a: {  	s8 =	simm.s32 $0x140;
	vm5 =	vmmov vm4;
	vm4 =	vmmov vm6;
	v9 =	vbroadcast v9, $0x0  }
.LBB2_4:
0x6b: {  	s17 =	sshra.s32 s8, $0x2;
	p0 =	sne.s32 s8, $0xFC0  }
.Ltmp3:
0x6c: {  	s8 =	sadd.s32 $0x40, s8;
	vm6 =	vne.s32 v8, $0x1;
	v11 =	vadd.s32 v6, v9;
	s31 =	spop (v2sf);
	(pc) =	sbr.rel @p0 .LBB2_4-.Ltmp3, $4  }
0x6d: {  	v6 =	vmovc v5;
	v5 =	vmovc v7;
	v8 =	vld [tilespmem:s17+$0x0];
	v9 =	vsel vm6, $0x1, v0;
	v10 =	vnsel vm2, $0x1, v11;
	s29 =	sadd.s32 s29, s31;
	vm2 =	vmmov vm3  }
0x6e: {  	vm3 =	vmmov vm5;
	(xrf0) =	vadd.scan.msk.s32 $0xffff, v9;
	v7, _, _ =	vpop (xrf0);
	v9 =	vmov s29;
	[tilespmem:s24+$0x400] =	vst v10;
	s24 =	smov.u32 s23;
	s23 =	smov.u32 s22;
	s22 =	smov.u32 s25  }
0x6f: {  	vm5 =	vmmov vm4;
	s25 =	smov.u32 s28;
	s28 =	smov.u32 s17;
	(v2sf) =	vpush v7, $0xF;
	v9 =	vadd.s32 $0x1, v9  }
0x70: {  	vm4 =	vmmov vm6;
	v9 =	vbroadcast v9, $0x0  }
0x71: {  	_ =	sdelay $0x2  }
0x72: {  	v10, _, _ =	vpop (xrf0)  }
0x73: {  	(v2sf) =	vpush v10, $0xF;
	_ =	sdelay $0x8  }
0x74: {  	s8 =	spop (v2sf)  }
0x75: {  	s8 =	sadd.s32 s29, s8;
	s17 =	spop (v2sf)  }
0x76: {  	vm6 =	vne.s32 v8, $0x1;
	v6 =	vadd.s32 v6, v9;
	v11 =	vmov s8;
	s8 =	sadd.s32 s8, s17  }
0x77: {  	v13 =	vsel vm6, $0x1, v0;
	v11 =	vadd.s32 $0x1, v11;
	v12 =	vmov s8  }
0x78: {  	v6 =	vnsel vm2, $0x1, v6;
	v59 =	vbroadcast v11, $0x0;
	v60 =	vadd.s32 $0x1, v12  }
0x79: {  	vm2 =	vmmov vm3;
	vm3 =	vmmov vm4;
	(xrf0) =	vadd.scan.msk.s32 $0xffff, v13;
	v11 =	vbroadcast v60, $0x0;
	s17 =	spop (v2sf)  }
0x7a: {  	vm15 =	vmmov vm6;
	vm3 =	vmmov vm3;
	v5 =	vadd.s32 v5, v59;
	s8 =	sadd.s32 s8, s17;
	s17 =	spop (v2sf)  }
0x7b: {  	v7 =	vadd.s32 v7, v11;
	v5 =	vnsel vm2, $0x1, v5;
	v61 =	vmov s8;
	s8 =	sadd.s32 s8, s17  }
0x7c: {  	vm2 =	vmmov vm5;
	v62 =	vadd.s32 $0x1, v61;
	v14 =	vmov s8  }
0x7d: {  	vm2 =	vmmov vm2;
	v8 =	vbroadcast v62, $0x0;
	v63 =	vadd.s32 $0x1, v14  }
0x7e: {  	[tilespmem:s24+$0x400] =	vst v6;
	vm4 =	vmmov vm15;
	v6 =	vnsel vm2, $0x1, v7;
	v7 =	vbroadcast v63, $0x0  }
0x7f: {  	[tilespmem:s23+$0x400] =	vst v5;
	vm2 =	vmmov vm3;
	vm3 =	vmmov vm4;
	v5, _, _ =	vpop (xrf0);
	v8 =	vadd.s32 v10, v8  }
0x80: {  	[tilespmem:s22+$0x400] =	vst v6;
	v6 =	vnsel vm2, $0x1, v8;
	vm2 =	vmmov vm3;
	v7 =	vadd.s32 v5, v7  }
0x81: {  	[tilespmem:s25+$0x400] =	vst v6;
	v6 =	vnsel vm2, $0x1, v7  }
0x82: {  	s8 =	rddreg [dreg:$0x7];
	[tilespmem:s28+$0x400] =	vst v6  }
0x83: {  	v6 =	vld [tilespmem:s8+$0x400];
	_ =	sdelay $0x4  }
0x84: {  	v7 =	vshll.u32 v6, $0x3  }
0x85: {  	v6 =	vand.u32 $0x7, v6;
	v7 =	vand.u32 $0xFFFFFFC0, v7  }
0x86: {  	v6 =	vor.u32 v6, v7  }
0x87: {  	v7 =	vperm.xlane v6, v2;
	_ =	sdelay $0x1  }
0x88: {  	v7 =	vadd.s32 v3, v7;
	_ =	sdelay $0x3  }
0x89: {  	s22 =	simm.s32 $0x0  }
0x8a: {  	[tilespmem:s18], [sflag:$0x1] =	stream.indirect_vreg.gather [hbm4b:s1+s22], $0x80, v7, vm1, $0xb8;
	[tilespmem:$0x19090] =	vst v63  }
0x8b: {  	s25 =	simm.s32 $0x1890;
	v6 =	vperm.xlane v6, v4  }
0x8c: {  	[tilespmem:s25], [sflag:$0x1] =	stream.indirect_vreg.gather [hbm4b:s10+s22], $0x80, v7, vm1, $0xb8;
	[tilespmem:$0x19090] =	vst v63  }
0x8d: {  	s28 =	simm.s32 $0x2090;
	v6 =	vadd.s32 v3, v6  }
0x8e: {  	[tilespmem:s28], [sflag:$0x1] =	stream.indirect_vreg.gather [hbm4b:s11+s22], $0x80, v7, vm1, $0xb8;
	[tilespmem:$0x19090] =	vst v63  }
0x8f: {  	s29 =	simm.s32 $0x2890  }
0x90: {  	[tilespmem:s29], [sflag:$0x1] =	stream.indirect_vreg.gather [hbm4b:s12+s22], $0x80, v7, vm1, $0xb8;
	[tilespmem:$0x19090] =	vst v63  }
0x91: {  	s31 =	simm.s32 $0x3090  }
0x92: {  	[tilespmem:s31], [sflag:$0x1] =	stream.indirect_vreg.gather [hbm4b:s1+s22], $0x80, v6, vm1, $0xb8;
	[tilespmem:$0x19090] =	vst v63  }
0x93: {  	s23 =	simm.s32 $0x3890  }
0x94: {  	[tilespmem:s23], [sflag:$0x1] =	stream.indirect_vreg.gather [hbm4b:s10+s22], $0x80, v6, vm1, $0xb8;
	[tilespmem:$0x19090] =	vst v63  }
0x95: {  	s24 =	simm.s32 $0x4090  }
0x96: {  	[tilespmem:s24], [sflag:$0x1] =	stream.indirect_vreg.gather [hbm4b:s11+s22], $0x80, v6, vm1, $0xb8;
	[tilespmem:$0x19090] =	vst v63  }
0x97: {  	s23 =	simm.s32 $0x4890  }
0x98: {  	[tilespmem:s23], [sflag:$0x1] =	stream.indirect_vreg.gather [hbm4b:s12+s22], $0x80, v6, vm1, $0xb8;
	[tilespmem:$0x19090] =	vst v63  }
0x99: {  	v6 =	vld [tilespmem:s8+$0x410];
	_ =	sdelay $0x4  }
0x9a: {  	v7 =	vshll.u32 v6, $0x3  }
0x9b: {  	v6 =	vand.u32 $0x7, v6;
	v7 =	vand.u32 $0xFFFFFFC0, v7  }
0x9c: {  	v6 =	vor.u32 v6, v7  }
0x9d: {  	v7 =	vperm.xlane v6, v2;
	_ =	sdelay $0x1  }
0x9e: {  	v7 =	vadd.s32 v3, v7;
	_ =	sdelay $0x4  }
0x9f: {  	[tilespmem:s26], [sflag:$0x2] =	stream.indirect_vreg.gather [hbm4b:s1+s22], $0x80, v7, vm1, $0xb8;
	[tilespmem:$0x19090] =	vst v63  }
0xa0: {  	s24 =	simm.s32 $0x5890;
	v6 =	vperm.xlane v6, v4  }
0xa1: {  	[tilespmem:s24], [sflag:$0x2] =	stream.indirect_vreg.gather [hbm4b:s10+s22], $0x80, v7, vm1, $0xb8;
	[tilespmem:$0x19090] =	vst v63  }
0xa2: {  	s23 =	simm.s32 $0x6090;
	v6 =	vadd.s32 v3, v6  }
0xa3: {  	[tilespmem:s23], [sflag:$0x2] =	stream.indirect_vreg.gather [hbm4b:s11+s22], $0x80, v7, vm1, $0xb8;
	[tilespmem:$0x19090] =	vst v63  }
0xa4: {  	s24 =	simm.s32 $0x6890  }
0xa5: {  	[tilespmem:s24], [sflag:$0x2] =	stream.indirect_vreg.gather [hbm4b:s12+s22], $0x80, v7, vm1, $0xb8;
	[tilespmem:$0x19090] =	vst v63  }
0xa6: {  	s23 =	simm.s32 $0x7090  }
0xa7: {  	[tilespmem:s23], [sflag:$0x2] =	stream.indirect_vreg.gather [hbm4b:s1+s22], $0x80, v6, vm1, $0xb8;
	[tilespmem:$0x19090] =	vst v63  }
0xa8: {  	s24 =	simm.s32 $0x7890  }
0xa9: {  	[tilespmem:s24], [sflag:$0x2] =	stream.indirect_vreg.gather [hbm4b:s10+s22], $0x80, v6, vm1, $0xb8;
	[tilespmem:$0x19090] =	vst v63  }
0xaa: {  	s23 =	simm.s32 $0x8090  }
0xab: {  	[tilespmem:s23], [sflag:$0x2] =	stream.indirect_vreg.gather [hbm4b:s11+s22], $0x80, v6, vm1, $0xb8;
	[tilespmem:$0x19090] =	vst v63  }
0xac: {  	s24 =	simm.s32 $0x8890  }
0xad: {  	[tilespmem:s24], [sflag:$0x2] =	stream.indirect_vreg.gather [hbm4b:s12+s22], $0x80, v6, vm1, $0xb8;
	[tilespmem:$0x19090] =	vst v63  }
0xae: {  	v6 =	vld [tilespmem:s8+$0x420];
	_ =	sdelay $0x4  }
0xaf: {  	v7 =	vshll.u32 v6, $0x3  }
0xb0: {  	v6 =	vand.u32 $0x7, v6;
	v7 =	vand.u32 $0xFFFFFFC0, v7  }
0xb1: {  	v6 =	vor.u32 v6, v7  }
0xb2: {  	v7 =	vperm.xlane v6, v2;
	_ =	sdelay $0x1  }
0xb3: {  	v7 =	vadd.s32 v3, v7;
	_ =	sdelay $0x2  }
0xb4: {  	(v2sf) =	vpush v5, $0xF;
	_ =	sdelay $0x1  }
0xb5: {  	[tilespmem:s16], [sflag:$0x3] =	stream.indirect_vreg.gather [hbm4b:s1+s22], $0x80, v7, vm1, $0xb8;
	[tilespmem:$0x19090] =	vst v63  }
0xb6: {  	s23 =	simm.s32 $0x9890;
	v5 =	vperm.xlane v6, v4  }
0xb7: {  	[tilespmem:s23], [sflag:$0x3] =	stream.indirect_vreg.gather [hbm4b:s10+s22], $0x80, v7, vm1, $0xb8;
	[tilespmem:$0x19090] =	vst v63  }
0xb8: {  	s24 =	simm.s32 $0xA090;
	v5 =	vadd.s32 v3, v5  }
0xb9: {  	[tilespmem:s24], [sflag:$0x3] =	stream.indirect_vreg.gather [hbm4b:s11+s22], $0x80, v7, vm1, $0xb8;
	[tilespmem:$0x19090] =	vst v63  }
0xba: {  	s17 =	simm.s32 $0xA890  }
0xbb: {  	[tilespmem:s17], [sflag:$0x3] =	stream.indirect_vreg.gather [hbm4b:s12+s22], $0x80, v7, vm1, $0xb8;
	[tilespmem:$0x19090] =	vst v63  }
0xbc: {  	s23 =	simm.s32 $0xB090  }
0xbd: {  	[tilespmem:s23], [sflag:$0x3] =	stream.indirect_vreg.gather [hbm4b:s1+s22], $0x80, v5, vm1, $0xb8;
	[tilespmem:$0x19090] =	vst v63  }
0xbe: {  	s24 =	simm.s32 $0xB890  }
0xbf: {  	[tilespmem:s24], [sflag:$0x3] =	stream.indirect_vreg.gather [hbm4b:s10+s22], $0x80, v5, vm1, $0xb8;
	[tilespmem:$0x19090] =	vst v63  }
0xc0: {  	s17 =	simm.s32 $0xC090  }
0xc1: {  	[tilespmem:s17], [sflag:$0x3] =	stream.indirect_vreg.gather [hbm4b:s11+s22], $0x80, v5, vm1, $0xb8;
	[tilespmem:$0x19090] =	vst v63  }
0xc2: {  	s23 =	simm.s32 $0xC890;
	s24 =	spop (v2sf)  }
0xc3: {  	[tilespmem:s23], [sflag:$0x3] =	stream.indirect_vreg.gather [hbm4b:s12+s22], $0x80, v5, vm1, $0xb8;
	[tilespmem:$0x19090] =	vst v63  }
.LBB2_6:
0xc4: {  	p0 =	seq.s32 s22, $0x0  }
0xc5: {  	s8 =	simm.s32 @!p0 $0xA  }
0xc6: {  	s23 =	sadd.s32 s22, s14;
	_ =	swait.ge @!p0 [sflag:s8], $0x4000  }
0xc7: {  	s17 =	sadd.s32 $0x30, s23;
	[sflag:s8] =	ssyncset.done @!p0 $0x0  }
0xc8: {  	s24 =	sand.u32 $0x3F0, s17;
	[sflag:s8] =	ssyncadd.s32 @!p0 $0xFFFFC000  }
0xc9: {  	v5 =	vld [tilespmem:s24+$0x400];
	_ =	sdelay $0x4  }
0xca: {  	v6 =	vshll.u32 v5, $0x3  }
0xcb: {  	v5 =	vand.u32 $0x7, v5;
	v6 =	vand.u32 $0xFFFFFFC0, v6  }
0xcc: {  	v5 =	vor.u32 v5, v6  }
0xcd: {  	v6 =	vperm.xlane v5, v2;
	_ =	sdelay $0x1  }
0xce: {  	v6 =	vadd.s32 v3, v6;
	_ =	sdelay $0x4  }
0xcf: {  	[tilespmem:s20], [sflag:$0x4] =	stream.indirect_vreg.gather [hbm4b:s1+s5], $0x80, v6, vm1, $0xb8;
	[tilespmem:$0x19090] =	vst v63  }
0xd0: {  	s17 =	simm.s32 $0xD890;
	v5 =	vperm.xlane v5, v4  }
0xd1: {  	[tilespmem:s17], [sflag:$0x4] =	stream.indirect_vreg.gather [hbm4b:s10+s5], $0x80, v6, vm1, $0xb8;
	[tilespmem:$0x19090] =	vst v63  }
0xd2: {  	v5 =	vadd.s32 v3, v5;
	s17 =	simm.s32 $0xE090  }
0xd3: {  	[tilespmem:s17], [sflag:$0x4] =	stream.indirect_vreg.gather [hbm4b:s11+s5], $0x80, v6, vm1, $0xb8;
	[tilespmem:$0x19090] =	vst v63  }
0xd4: {  	s17 =	simm.s32 $0xE890  }
0xd5: {  	[tilespmem:s17], [sflag:$0x4] =	stream.indirect_vreg.gather [hbm4b:s12+s5], $0x80, v6, vm1, $0xb8;
	[tilespmem:$0x19090] =	vst v63  }
0xd6: {  	s17 =	simm.s32 $0xF090  }
0xd7: {  	[tilespmem:s17], [sflag:$0x4] =	stream.indirect_vreg.gather [hbm4b:s1+s5], $0x80, v5, vm1, $0xb8;
	[tilespmem:$0x19090] =	vst v63  }
0xd8: {  	s17 =	simm.s32 $0xF890  }
0xd9: {  	[tilespmem:s17], [sflag:$0x4] =	stream.indirect_vreg.gather [hbm4b:s10+s5], $0x80, v5, vm1, $0xb8;
	[tilespmem:$0x19090] =	vst v63  }
0xda: {  	s17 =	simm.s32 $0x10090  }
0xdb: {  	[tilespmem:s17], [sflag:$0x4] =	stream.indirect_vreg.gather [hbm4b:s11+s5], $0x80, v5, vm1, $0xb8;
	[tilespmem:$0x19090] =	vst v63  }
0xdc: {  	s17 =	simm.s32 $0x10890  }
0xdd: {  	[tilespmem:s17], [sflag:$0x4] =	stream.indirect_vreg.gather [hbm4b:s12+s5], $0x80, v5, vm1, $0xb8;
	[tilespmem:$0x19090] =	vst v63  }
.Ltmp4:
0xde: {  	s17 =	sand.u32 $0x3E0, s23;
	(pc) =	sbr.rel @p0 .LBB2_9-.Ltmp4, $4  }
0xdf: {  	_ =	swait.ge [sflag:s30], $0x4000;
	s8 =	sor.u32 s6, s17  }
0xe0: {  	[sflag:s30] =	ssyncset.done $0x0;
	s8 =	sshll.u32 s8, $0x7  }
0xe1: {  	[sflag:s30] =	ssyncadd.s32 $0xFFFFC000;
	s8 =	sadd.s32 s3, s8  }
0xe2: {  	[hbm4b:s8+s5] =	stream.linear.scatter [tilespmem:s18], [sflag:$0x7], $0x4000, $0x38;
	[tilespmem:$0x19090] =	vst v63  }
0xe3: {  	p1 =	seq.s32 s22, $0x3C0  }
.Ltmp5:
0xe4: {  	_ = 	snop;
	(pc) =	sbr.rel @p1 .LBB2_10-.Ltmp5, $1  }
0xe5: {  	_ =	sdelay $0x3  }
0xe6: {  	s8 =	simm.s32 $0xB  }
0xe7: {  	_ =	swait.ge [sflag:s8], $0x4000  }
0xe8: {  	[sflag:s8] =	ssyncset.done $0x0  }
0xe9: {  	[sflag:s8] =	ssyncadd.s32 $0xFFFFC000  }
.LBB2_9:
0xea: {  	s8 =	sadd.s32 $0x40, s23  }
0xeb: {  	s8 =	sand.u32 $0x3E0, s8  }
0xec: {  	v5 =	vld [tilespmem:s8+$0x400];
	_ =	sdelay $0x4  }
0xed: {  	v6 =	vshll.u32 v5, $0x3  }
0xee: {  	v5 =	vand.u32 $0x7, v5;
	v6 =	vand.u32 $0xFFFFFFC0, v6  }
0xef: {  	v5 =	vor.u32 v5, v6  }
0xf0: {  	v6 =	vperm.xlane v5, v2;
	_ =	sdelay $0x1  }
0xf1: {  	v6 =	vadd.s32 v3, v6;
	_ =	sdelay $0x3  }
0xf2: {  	s17 =	simm.s32 $0x11090  }
0xf3: {  	[tilespmem:s17], [sflag:$0x5] =	stream.indirect_vreg.gather [hbm4b:s1+s5], $0x80, v6, vm1, $0xb8;
	[tilespmem:$0x19090] =	vst v63  }
0xf4: {  	v5 =	vperm.xlane v5, v4;
	s17 =	simm.s32 $0x11890  }
0xf5: {  	[tilespmem:s17], [sflag:$0x5] =	stream.indirect_vreg.gather [hbm4b:s10+s5], $0x80, v6, vm1, $0xb8;
	[tilespmem:$0x19090] =	vst v63  }
0xf6: {  	v5 =	vadd.s32 v3, v5;
	s17 =	simm.s32 $0x12090  }
0xf7: {  	[tilespmem:s17], [sflag:$0x5] =	stream.indirect_vreg.gather [hbm4b:s11+s5], $0x80, v6, vm1, $0xb8;
	[tilespmem:$0x19090] =	vst v63  }
0xf8: {  	s17 =	simm.s32 $0x12890  }
0xf9: {  	[tilespmem:s17], [sflag:$0x5] =	stream.indirect_vreg.gather [hbm4b:s12+s5], $0x80, v6, vm1, $0xb8;
	[tilespmem:$0x19090] =	vst v63  }
0xfa: {  	s17 =	simm.s32 $0x13090  }
0xfb: {  	[tilespmem:s17], [sflag:$0x5] =	stream.indirect_vreg.gather [hbm4b:s1+s5], $0x80, v5, vm1, $0xb8;
	[tilespmem:$0x19090] =	vst v63  }
0xfc: {  	s17 =	simm.s32 $0x13890  }
0xfd: {  	[tilespmem:s17], [sflag:$0x5] =	stream.indirect_vreg.gather [hbm4b:s10+s5], $0x80, v5, vm1, $0xb8;
	[tilespmem:$0x19090] =	vst v63  }
0xfe: {  	s17 =	simm.s32 $0x14090  }
0xff: {  	[tilespmem:s17], [sflag:$0x5] =	stream.indirect_vreg.gather [hbm4b:s11+s5], $0x80, v5, vm1, $0xb8;
	[tilespmem:$0x19090] =	vst v63  }
0x100: {  	s17 =	simm.s32 $0x14890  }
0x101: {  	[tilespmem:s17], [sflag:$0x5] =	stream.indirect_vreg.gather [hbm4b:s12+s5], $0x80, v5, vm1, $0xb8;
	[tilespmem:$0x19090] =	vst v63  }
.LBB2_10:
0x102: {  	s8 =	sadd.s32 $0x10, s23  }
.Ltmp6:
0x103: {  	s8 =	sand.u32 $0x3F0, s8;
	(pc) =	sbr.rel @p0 .LBB2_13-.Ltmp6, $4  }
0x104: {  	_ =	swait.ge [sflag:s2], $0x4000;
	s8 =	sor.u32 s6, s8  }
0x105: {  	[sflag:s2] =	ssyncset.done $0x0;
	s8 =	sshll.u32 s8, $0x7  }
0x106: {  	[sflag:s2] =	ssyncadd.s32 $0xFFFFC000;
	s8 =	sadd.s32 s3, s8  }
0x107: {  	[hbm4b:s8+s5] =	stream.linear.scatter [tilespmem:s26], [sflag:$0x8], $0x4000, $0x38;
	[tilespmem:$0x19090] =	vst v63  }
0x108: {  	p0 =	seq.s32 s22, $0x3C0  }
.Ltmp7:
0x109: {  	_ = 	snop;
	(pc) =	sbr.rel @p0 .LBB2_14-.Ltmp7, $1  }
0x10a: {  	_ =	sdelay $0x3  }
0x10b: {  	s8 =	simm.s32 $0xC  }
0x10c: {  	_ =	swait.ge [sflag:s8], $0x4000  }
0x10d: {  	[sflag:s8] =	ssyncset.done $0x0  }
0x10e: {  	[sflag:s8] =	ssyncadd.s32 $0xFFFFC000  }
.LBB2_13:
0x10f: {  	s8 =	sadd.s32 $0x50, s23  }
0x110: {  	s8 =	sand.u32 $0x3F0, s8  }
0x111: {  	v5 =	vld [tilespmem:s8+$0x400];
	_ =	sdelay $0x4  }
0x112: {  	v6 =	vshll.u32 v5, $0x3  }
0x113: {  	v5 =	vand.u32 $0x7, v5;
	v6 =	vand.u32 $0xFFFFFFC0, v6  }
0x114: {  	v5 =	vor.u32 v5, v6  }
0x115: {  	v6 =	vperm.xlane v5, v2;
	_ =	sdelay $0x1  }
0x116: {  	v6 =	vadd.s32 v3, v6;
	_ =	sdelay $0x4  }
0x117: {  	[tilespmem:s0], [sflag:$0x6] =	stream.indirect_vreg.gather [hbm4b:s1+s5], $0x80, v6, vm1, $0xb8;
	[tilespmem:$0x19090] =	vst v63  }
0x118: {  	s17 =	simm.s32 $0x15890;
	v5 =	vperm.xlane v5, v4  }
0x119: {  	[tilespmem:s17], [sflag:$0x6] =	stream.indirect_vreg.gather [hbm4b:s10+s5], $0x80, v6, vm1, $0xb8;
	[tilespmem:$0x19090] =	vst v63  }
0x11a: {  	v5 =	vadd.s32 v3, v5;
	s17 =	simm.s32 $0x16090  }
0x11b: {  	[tilespmem:s17], [sflag:$0x6] =	stream.indirect_vreg.gather [hbm4b:s11+s5], $0x80, v6, vm1, $0xb8;
	[tilespmem:$0x19090] =	vst v63  }
0x11c: {  	s17 =	simm.s32 $0x16890  }
0x11d: {  	[tilespmem:s17], [sflag:$0x6] =	stream.indirect_vreg.gather [hbm4b:s12+s5], $0x80, v6, vm1, $0xb8;
	[tilespmem:$0x19090] =	vst v63  }
0x11e: {  	s17 =	simm.s32 $0x17090  }
0x11f: {  	[tilespmem:s17], [sflag:$0x6] =	stream.indirect_vreg.gather [hbm4b:s1+s5], $0x80, v5, vm1, $0xb8;
	[tilespmem:$0x19090] =	vst v63  }
0x120: {  	s17 =	simm.s32 $0x17890  }
0x121: {  	[tilespmem:s17], [sflag:$0x6] =	stream.indirect_vreg.gather [hbm4b:s10+s5], $0x80, v5, vm1, $0xb8;
	[tilespmem:$0x19090] =	vst v63  }
0x122: {  	s17 =	simm.s32 $0x18090  }
0x123: {  	[tilespmem:s17], [sflag:$0x6] =	stream.indirect_vreg.gather [hbm4b:s11+s5], $0x80, v5, vm1, $0xb8;
	[tilespmem:$0x19090] =	vst v63  }
0x124: {  	s17 =	simm.s32 $0x18890  }
0x125: {  	[tilespmem:s17], [sflag:$0x6] =	stream.indirect_vreg.gather [hbm4b:s12+s5], $0x80, v5, vm1, $0xb8;
	[tilespmem:$0x19090] =	vst v63  }
.LBB2_14:
0x126: {  	s8 =	sadd.s32 $0x20, s23  }
0x127: {  	p0 =	seq.s32 s22, $0x3C0;
	s8 =	sand.u32 $0x3E0, s8  }
.Ltmp8:
0x128: {  	_ =	swait.ge [sflag:s4], $0x4000;
	s8 =	sor.u32 s6, s8;
	(pc) =	sbr.rel @p0 .LBB2_16-.Ltmp8, $4  }
0x129: {  	[sflag:s4] =	ssyncset.done $0x0;
	s8 =	sshll.u32 s8, $0x7  }
0x12a: {  	s24 =	sor.u32 s6, s24;
	[sflag:s4] =	ssyncadd.s32 $0xFFFFC000;
	s8 =	sadd.s32 s3, s8  }
0x12b: {  	[hbm4b:s8+s5] =	stream.linear.scatter [tilespmem:s16], [sflag:$0x9], $0x4000, $0x38;
	[tilespmem:$0x19090] =	vst v63  }
0x12c: {  	s8 =	sshll.u32 s24, $0x7  }
0x12d: {  	_ =	swait.ge [sflag:s13], $0x4000  }
0x12e: {  	s17 =	sadd.s32 $0x60, s23;
	[sflag:s13] =	ssyncset.done $0x0  }
0x12f: {  	s17 =	sand.u32 $0x3E0, s17;
	[sflag:s13] =	ssyncadd.s32 $0xFFFFC000  }
0x130: {  	v5 =	vld [tilespmem:s17+$0x400];
	_ =	sdelay $0x4  }
0x131: {  	v6 =	vshll.u32 v5, $0x3  }
0x132: {  	v5 =	vand.u32 $0x7, v5;
	v6 =	vand.u32 $0xFFFFFFC0, v6  }
0x133: {  	v5 =	vor.u32 v5, v6  }
0x134: {  	v6 =	vperm.xlane v5, v2;
	_ =	sdelay $0x1  }
0x135: {  	v6 =	vadd.s32 v3, v6;
	_ =	sdelay $0x4  }
0x136: {  	[tilespmem:s18], [sflag:$0x1] =	stream.indirect_vreg.gather [hbm4b:s1+s5], $0x80, v6, vm1, $0xb8;
	[tilespmem:$0x19090] =	vst v63  }
0x137: {  	v5 =	vperm.xlane v5, v4  }
0x138: {  	[tilespmem:s25], [sflag:$0x1] =	stream.indirect_vreg.gather [hbm4b:s10+s5], $0x80, v6, vm1, $0xb8;
	[tilespmem:$0x19090] =	vst v63  }
0x139: {  	v5 =	vadd.s32 v3, v5  }
0x13a: {  	[tilespmem:s28], [sflag:$0x1] =	stream.indirect_vreg.gather [hbm4b:s11+s5], $0x80, v6, vm1, $0xb8;
	[tilespmem:$0x19090] =	vst v63  }
0x13b: {  	_ = 	snop  }
0x13c: {  	[tilespmem:s29], [sflag:$0x1] =	stream.indirect_vreg.gather [hbm4b:s12+s5], $0x80, v6, vm1, $0xb8;
	[tilespmem:$0x19090] =	vst v63  }
0x13d: {  	_ = 	snop  }
0x13e: {  	[tilespmem:s31], [sflag:$0x1] =	stream.indirect_vreg.gather [hbm4b:s1+s5], $0x80, v5, vm1, $0xb8;
	[tilespmem:$0x19090] =	vst v63  }
0x13f: {  	s24 =	simm.s32 $0x3890  }
0x140: {  	[tilespmem:s24], [sflag:$0x1] =	stream.indirect_vreg.gather [hbm4b:s10+s5], $0x80, v5, vm1, $0xb8;
	[tilespmem:$0x19090] =	vst v63  }
0x141: {  	s24 =	simm.s32 $0x4090  }
0x142: {  	[tilespmem:s24], [sflag:$0x1] =	stream.indirect_vreg.gather [hbm4b:s11+s5], $0x80, v5, vm1, $0xb8;
	[tilespmem:$0x19090] =	vst v63  }
0x143: {  	s24 =	simm.s32 $0x4890  }
0x144: {  	[tilespmem:s24], [sflag:$0x1] =	stream.indirect_vreg.gather [hbm4b:s12+s5], $0x80, v5, vm1, $0xb8;
	[tilespmem:$0x19090] =	vst v63  }
0x145: {  	_ =	swait.ge [sflag:s7], $0x4000  }
0x146: {  	[sflag:s7] =	ssyncset.done $0x0  }
0x147: {  	s8 =	sadd.s32 s3, s8;
	[sflag:s7] =	ssyncadd.s32 $0xFFFFC000  }
0x148: {  	[hbm4b:s8+s5] =	stream.linear.scatter [tilespmem:s20], [sflag:$0xA], $0x4000, $0x38;
	[tilespmem:$0x19090] =	vst v63  }
0x149: {  	_ =	swait.ge [sflag:s9], $0x4000  }
0x14a: {  	s17 =	sadd.s32 $0x70, s23;
	[sflag:s9] =	ssyncset.done $0x0  }
0x14b: {  	s8 =	sand.u32 $0x3F0, s17;
	[sflag:s9] =	ssyncadd.s32 $0xFFFFC000  }
0x14c: {  	v5 =	vld [tilespmem:s8+$0x400];
	_ =	sdelay $0x4  }
0x14d: {  	v6 =	vshll.u32 v5, $0x3  }
0x14e: {  	v5 =	vand.u32 $0x7, v5;
	v6 =	vand.u32 $0xFFFFFFC0, v6  }
0x14f: {  	v5 =	vor.u32 v5, v6  }
0x150: {  	v6 =	vperm.xlane v5, v2;
	_ =	sdelay $0x1  }
0x151: {  	v6 =	vadd.s32 v3, v6;
	_ =	sdelay $0x4  }
0x152: {  	[tilespmem:s26], [sflag:$0x2] =	stream.indirect_vreg.gather [hbm4b:s1+s5], $0x80, v6, vm1, $0xb8;
	[tilespmem:$0x19090] =	vst v63  }
0x153: {  	s24 =	simm.s32 $0x5890;
	v5 =	vperm.xlane v5, v4  }
0x154: {  	[tilespmem:s24], [sflag:$0x2] =	stream.indirect_vreg.gather [hbm4b:s10+s5], $0x80, v6, vm1, $0xb8;
	[tilespmem:$0x19090] =	vst v63  }
0x155: {  	s17 =	simm.s32 $0x6090;
	v5 =	vadd.s32 v3, v5  }
0x156: {  	[tilespmem:s17], [sflag:$0x2] =	stream.indirect_vreg.gather [hbm4b:s11+s5], $0x80, v6, vm1, $0xb8;
	[tilespmem:$0x19090] =	vst v63  }
0x157: {  	s24 =	simm.s32 $0x6890  }
0x158: {  	[tilespmem:s24], [sflag:$0x2] =	stream.indirect_vreg.gather [hbm4b:s12+s5], $0x80, v6, vm1, $0xb8;
	[tilespmem:$0x19090] =	vst v63  }
0x159: {  	s17 =	simm.s32 $0x7090  }
0x15a: {  	[tilespmem:s17], [sflag:$0x2] =	stream.indirect_vreg.gather [hbm4b:s1+s5], $0x80, v5, vm1, $0xb8;
	[tilespmem:$0x19090] =	vst v63  }
0x15b: {  	s24 =	simm.s32 $0x7890  }
0x15c: {  	[tilespmem:s24], [sflag:$0x2] =	stream.indirect_vreg.gather [hbm4b:s10+s5], $0x80, v5, vm1, $0xb8;
	[tilespmem:$0x19090] =	vst v63  }
0x15d: {  	s17 =	simm.s32 $0x8090  }
0x15e: {  	[tilespmem:s17], [sflag:$0x2] =	stream.indirect_vreg.gather [hbm4b:s11+s5], $0x80, v5, vm1, $0xb8;
	[tilespmem:$0x19090] =	vst v63  }
0x15f: {  	s17 =	sadd.s32 $0x40, s23  }
0x160: {  	s24 =	simm.s32 $0x8890;
	s8 =	sand.u32 $0x3E0, s17  }
0x161: {  	[tilespmem:s24], [sflag:$0x2] =	stream.indirect_vreg.gather [hbm4b:s12+s5], $0x80, v5, vm1, $0xb8;
	[tilespmem:$0x19090] =	vst v63  }
0x162: {  	s8 =	sor.u32 s6, s8;
	_ =	swait.ge [sflag:s19], $0x4000  }
0x163: {  	s8 =	sshll.u32 s8, $0x7;
	[sflag:s19] =	ssyncset.done $0x0  }
0x164: {  	s24 =	simm.s32 $0x11090;
	s8 =	sadd.s32 s3, s8;
	[sflag:s19] =	ssyncadd.s32 $0xFFFFC000  }
0x165: {  	[hbm4b:s8+s5] =	stream.linear.scatter [tilespmem:s24], [sflag:$0xB], $0x4000, $0x38;
	[tilespmem:$0x19090] =	vst v63  }
0x166: {  	_ =	swait.ge [sflag:s15], $0x4000  }
0x167: {  	s24 =	sadd.s32 $0x80, s23;
	[sflag:s15] =	ssyncset.done $0x0  }
0x168: {  	s8 =	sand.u32 $0x3E0, s24;
	[sflag:s15] =	ssyncadd.s32 $0xFFFFC000  }
0x169: {  	v5 =	vld [tilespmem:s8+$0x400];
	_ =	sdelay $0x4  }
0x16a: {  	v6 =	vshll.u32 v5, $0x3  }
0x16b: {  	v5 =	vand.u32 $0x7, v5;
	v6 =	vand.u32 $0xFFFFFFC0, v6  }
0x16c: {  	v5 =	vor.u32 v5, v6  }
0x16d: {  	v6 =	vperm.xlane v5, v2;
	_ =	sdelay $0x1  }
0x16e: {  	v6 =	vadd.s32 v3, v6;
	_ =	sdelay $0x4  }
0x16f: {  	[tilespmem:s16], [sflag:$0x3] =	stream.indirect_vreg.gather [hbm4b:s1+s5], $0x80, v6, vm1, $0xb8;
	[tilespmem:$0x19090] =	vst v63  }
0x170: {  	s17 =	simm.s32 $0x9890;
	v5 =	vperm.xlane v5, v4  }
0x171: {  	[tilespmem:s17], [sflag:$0x3] =	stream.indirect_vreg.gather [hbm4b:s10+s5], $0x80, v6, vm1, $0xb8;
	[tilespmem:$0x19090] =	vst v63  }
0x172: {  	s24 =	simm.s32 $0xA090;
	v5 =	vadd.s32 v3, v5  }
0x173: {  	[tilespmem:s24], [sflag:$0x3] =	stream.indirect_vreg.gather [hbm4b:s11+s5], $0x80, v6, vm1, $0xb8;
	[tilespmem:$0x19090] =	vst v63  }
0x174: {  	s17 =	simm.s32 $0xA890  }
0x175: {  	[tilespmem:s17], [sflag:$0x3] =	stream.indirect_vreg.gather [hbm4b:s12+s5], $0x80, v6, vm1, $0xb8;
	[tilespmem:$0x19090] =	vst v63  }
0x176: {  	s24 =	simm.s32 $0xB090  }
0x177: {  	[tilespmem:s24], [sflag:$0x3] =	stream.indirect_vreg.gather [hbm4b:s1+s5], $0x80, v5, vm1, $0xb8;
	[tilespmem:$0x19090] =	vst v63  }
0x178: {  	s17 =	simm.s32 $0xB890  }
0x179: {  	[tilespmem:s17], [sflag:$0x3] =	stream.indirect_vreg.gather [hbm4b:s10+s5], $0x80, v5, vm1, $0xb8;
	[tilespmem:$0x19090] =	vst v63  }
0x17a: {  	s24 =	simm.s32 $0xC090  }
0x17b: {  	[tilespmem:s24], [sflag:$0x3] =	stream.indirect_vreg.gather [hbm4b:s11+s5], $0x80, v5, vm1, $0xb8;
	[tilespmem:$0x19090] =	vst v63  }
0x17c: {  	s17 =	simm.s32 $0xC890;
	s24 =	sadd.s32 $0x50, s23  }
0x17d: {  	[tilespmem:s17], [sflag:$0x3] =	stream.indirect_vreg.gather [hbm4b:s12+s5], $0x80, v5, vm1, $0xb8;
	[tilespmem:$0x19090] =	vst v63  }
.Ltmp9:
0x17e: {  	s8 =	sand.u32 $0x3F0, s24;
	(pc) =	sbr.rel .LBB2_6-.Ltmp9, $4  }
0x17f: {  	s8 =	sor.u32 s6, s8;
	_ =	swait.ge [sflag:s21], $0x4000  }
0x180: {  	s8 =	sshll.u32 s8, $0x7;
	[sflag:s21] =	ssyncset.done $0x0  }
0x181: {  	s22 =	sadd.s32 $0x60, s22;
	s8 =	sadd.s32 s3, s8;
	[sflag:s21] =	ssyncadd.s32 $0xFFFFC000  }
0x182: {  	[hbm4b:s8+s5] =	stream.linear.scatter [tilespmem:s0], [sflag:$0xC], $0x4000, $0x38;
	[tilespmem:$0x19090] =	vst v63  }
.LBB2_17:
0x183: {  	_ =	sfence.sel $0x180000  }
0x184: {  	[bflag:$0x0] =	sbarrier.arrive $0xFFFF  }
0x185: {  	_ =	strace $0x90000047  }
0x186: {  	s0 =	stileid.u32;
	[bflag:$0x2] =	sbarrier.arrive $0xFFFF  }
0x187: {  	p0 =	sne.s32 s0, $0x0;
	s0 =	rddreg [dreg:$0x4]  }
0x188: {  	s0 =	sadd.s32 @!p0 $0x100000, s0  }
0x189: {  	[sflag:s0] =	ssyncadd.tile.s32 @!p0 $0x1;
	_ =	shalt  }
.Lfunc_end2:
_tile_overlayer_lowered:
.L_overlay_start_2:
0x18a: {  	(tag) =	ssettag $0x2  }
0x18b: {  	s0 =	rddreg [dreg:$0x0];
	s2 =	stileid.u32  }
0x18c: {  	s1 =	rddreg [dreg:$0x1];
	p0 =	sne.s32 s2, $0x0  }
0x18d: {  	s3 =	rddreg [dreg:$0x2];
	[bflag:$0x3] =	sbarrier.arrive $0xFFFF;
	s2 =	simm.s32 @!p0 $0x1C0D  }
0x18e: {  	[timem:s3], [sflag:s2] =	dma.local @!p0 [hbm:s0], s1  }
0x18f: {  	s0 =	simm.s32 @!p0 $0xD  }
0x190: {  	_ =	swait.ge @!p0 [sflag:s0], s1  }
0x191: {  	s1 =	ssub.s32 @!p0 $0x0, s1;
	[sflag:s0] =	ssyncset.done @!p0 $0x0  }
0x192: {  	[sflag:s0] =	ssyncadd.s32 @!p0 s1  }
0x193: {  	[bflag:$0x3] =	sbarrier.arrive $0xFFFF  }
0x194: {  	_ =	shalt  }

</sc_bundles>
